<compile_context>
chip_gen: v7x
topology: tpu7x:2x2x1
jax: 0.10.2.dev20260603
libtpu: 0.0.44.dev20260713+nightly
codegen_flags: <defaults>
</compile_context>

<pallas_src>
import functools

import jax
import jax.numpy as jnp
from jax import lax
from jax.experimental import pallas as pl
from jax.experimental.pallas import tpu as pltpu
from jax.experimental.pallas import tpu_sc as plsc

B = 256
L = 1024
NUM_AA = 20
PROJ = 64
N = B * L
NPAIR = N // 2
NPP = NUM_AA * NUM_AA
PW = 2 * PROJ

PR = 512
PC = NPAIR // PR

NC = 2
NS = 16
NW = NC * NS
PAIR_PER_W = NPAIR // NW
SUB = 128
NSUB = PAIR_PER_W // SUB
RING = 4


def _pair_table_body(w_ref, b_ref, out_ref):
    i = lax.broadcasted_iota(jnp.int32, (NPP, NUM_AA), 0)
    q = lax.broadcasted_iota(jnp.int32, (NPP, NUM_AA), 1)
    e1 = (q == i // NUM_AA).astype(jnp.float32)
    e2 = (q == i % NUM_AA).astype(jnp.float32)
    w = w_ref[...]
    bb = b_ref[...]
    left = lax.dot_general(e1, w, (((1,), (1,)), ((), ())),
                           preferred_element_type=jnp.float32) + bb
    right = lax.dot_general(e2, w, (((1,), (1,)), ((), ())),
                            preferred_element_type=jnp.float32) + bb
    out_ref[...] = jnp.concatenate([left, right], axis=1)


_PTAB = pl.pallas_call(
    _pair_table_body,
    out_shape=jax.ShapeDtypeStruct((NPP, PW), jnp.float32),
)


def _pidx_body(x_ref, out_ref):
    out_ref[...] = x_ref[0] * NUM_AA + x_ref[1]


_PIDX = pl.pallas_call(
    _pidx_body,
    out_shape=jax.ShapeDtypeStruct((PR, PC), jnp.int32),
)


def _build_sc_kernel():
    mesh = plsc.VectorSubcoreMesh(core_axis_name="c", subcore_axis_name="s")

    @functools.partial(
        pl.kernel,
        out_type=jax.ShapeDtypeStruct((NPAIR, PW), jnp.float32),
        mesh=mesh,
        scratch_types=[
            pltpu.VMEM_SHARED((NPP, PW), jnp.float32),
            pltpu.VMEM((NSUB, SUB), jnp.int32),
            pltpu.VMEM((RING, SUB, PW), jnp.float32),
            pltpu.SemaphoreType.DMA((RING,)),
            pltpu.SemaphoreType.DMA((RING,)),
        ],
    )
    def sc_lookup(idx_hbm, tab_hbm, out_hbm, tab_sh, idx_v, rows_v, gsem, wsem):
        sid = lax.axis_index("s")
        cid = lax.axis_index("c")
        wid = sid * NC + cid

        @pl.when(sid == 0)
        def _stage_table():
            pltpu.sync_copy(tab_hbm, tab_sh)

        plsc.subcore_barrier()

        row0 = wid * NSUB
        pltpu.sync_copy(idx_hbm.at[pl.ds(row0, NSUB)], idx_v)

        def body(o, carry):
            for g in range(RING):
                j = o * RING + g

                @pl.when(o > 0)
                def _buffer_free(g=g):
                    pltpu.make_async_copy(
                        rows_v.at[g], out_hbm.at[pl.ds(0, SUB)], wsem.at[g]
                    ).wait()

                pltpu.async_copy(tab_sh.at[idx_v.at[j]], rows_v.at[g], gsem.at[g])

                gp = (g - 1) % RING

                @pl.when(j >= 1)
                def _retire_prev(g=g, gp=gp, j=j):
                    pltpu.make_async_copy(
                        tab_sh.at[idx_v.at[0]], rows_v.at[gp], gsem.at[gp]
                    ).wait()
                    pltpu.async_copy(
                        rows_v.at[gp],
                        out_hbm.at[pl.ds((row0 + j - 1) * SUB, SUB)],
                        wsem.at[gp],
                    )
            return carry

        lax.fori_loop(0, NSUB // RING, body, 0)

        g_last = RING - 1
        pltpu.make_async_copy(
            tab_sh.at[idx_v.at[0]], rows_v.at[g_last], gsem.at[g_last]
        ).wait()
        pltpu.async_copy(
            rows_v.at[g_last],
            out_hbm.at[pl.ds((row0 + NSUB - 1) * SUB, SUB)],
            wsem.at[g_last],
        )
        for g in range(RING):
            pltpu.make_async_copy(
                rows_v.at[g], out_hbm.at[pl.ds(0, SUB)], wsem.at[g]
            ).wait()

    return sc_lookup


_SC_LOOKUP_CACHE = []


def kernel(indices, W, b):
    if not _SC_LOOKUP_CACHE:
        _SC_LOOKUP_CACHE.append(_build_sc_kernel())
    sc_lookup = _SC_LOOKUP_CACHE[0]
    idx = indices.reshape(N).astype(jnp.int32)
    xt = idx.reshape(NPAIR, 2).T.reshape(2, PR, PC)
    pidx = _PIDX(xt)
    ptab = _PTAB(W, b.reshape(1, PROJ))
    out = sc_lookup(pidx.reshape(NPAIR // SUB, SUB), ptab)
    return out.reshape(B, L, PROJ)

# --- scband reference (transcript-rebuilt; emitter-appended) ---
"""Pipeline reference for scband-one-hot-aaprojector-3143916061384 (READ-ONLY COPY).

The authoritative reference and input builder live on the scoring server;
editing this copy changes nothing except your own understanding.
"""

import jax, jax.numpy as jnp
import numpy as np

B = 256
L = 1024
PROJ_DIM = 64
NUM_AA = 20

def setup_inputs(seed: int = 0) -> dict:
    key = jax.random.key(seed)
    k_idx, k_w, k_b = jax.random.split(key, 3)
    indices = jax.random.randint(k_idx, (B, L), 0, NUM_AA, dtype=jnp.int64 if jax.config.jax_enable_x64 else jnp.int32)
    # nn.Linear(20, proj_dim): weight [proj_dim, 20], bias [proj_dim]
    bound = 1.0 / np.sqrt(NUM_AA)
    W = jax.random.uniform(k_w, (PROJ_DIM, NUM_AA), minval=-bound, maxval=bound, dtype=jnp.float32)
    b = jax.random.uniform(k_b, (PROJ_DIM,), minval=-bound, maxval=bound, dtype=jnp.float32)
    return {"indices": indices, "W": W, "b": b}

def reference(indices, W, b):
    # one-hot [B, L, 20] then Linear: x @ W.T + b  -> [B, L, proj_dim]
    onehot = jax.nn.one_hot(indices, NUM_AA, dtype=jnp.float32)
    out = jnp.einsum('blk,pk->blp', onehot, W) + b
    return out

if __name__ == "__main__":
    import jax
    _d = setup_inputs()
    print(jax.jit(kernel)(*tuple(_d.values())))

</pallas_src>

<mosaic_0001>
#map = affine_map<(d0, d1) -> (0, 0)>
module attributes {stable_mosaic.version = 14 : i64} {
  func.func @sc_lookup(%arg0: i32, %arg1: i32, %arg2: memref<1024x128xi32, #tpu.memory_space<hbm>>, %arg3: memref<400x128xf32, #tpu.memory_space<hbm>>, %arg4: memref<131072x128xf32, #tpu.memory_space<hbm>>, %arg5: memref<400x128xf32, #tpu.memory_space<vmem_shared>>, %arg6: memref<32x128xi32, #tpu.memory_space<vmem>>, %arg7: memref<4x128x128xf32, #tpu.memory_space<vmem>>, %arg8: memref<4x!tpu.dma_semaphore, #tpu.memory_space<semaphore_mem>>, %arg9: memref<4x!tpu.dma_semaphore, #tpu.memory_space<semaphore_mem>>) attributes {dimension_semantics = [#tpu.dimension_semantics<core_parallel>, #tpu.dimension_semantics<subcore_parallel>], iteration_bounds = array<i64: 2, 16>, scalar_prefetch = 0 : i64, scratch_operands = 5 : i64, tpu.core_type = #tpu.core_type<sc_vector_subcore>, window_params = [{transform_indices = #map}, {transform_indices = #map}, {transform_indices = #map}]} {
    %mul3A = arith.constant 2 : i32
    %mul3A_0 = arith.muli %arg1, %mul3A : i32
    %add3A = arith.addi %mul3A_0, %arg0 : i32
    %eq3A = arith.constant 0 : i32
    %eq3A_1 = arith.cmpi eq, %arg1, %eq3A : i32
    %convert_element_type3A = arith.extui %eq3A_1 : i1 to i32
    %cond3A = arith.constant 0 : i32
    %cond3A_2 = arith.cmpi ne, %convert_element_type3A, %cond3A : i32
    scf.if %cond3A_2 {
      "tpu.region"() ({
        %run_scoped3A = tpu.sem_alloc : memref<!tpu.dma_semaphore, #tpu.memory_space<semaphore_mem>>
        tpu.enqueue_dma source(%arg3 : memref<400x128xf32, #tpu.memory_space<hbm>>) target(%arg5 : memref<400x128xf32, #tpu.memory_space<vmem_shared>>) target_semaphore(%run_scoped3A : memref<!tpu.dma_semaphore, #tpu.memory_space<semaphore_mem>>)
        tpu.wait_dma2 semaphore(%run_scoped3A : memref<!tpu.dma_semaphore, #tpu.memory_space<semaphore_mem>>) src(%arg3 : memref<400x128xf32, #tpu.memory_space<hbm>>) dst(%arg5 : memref<400x128xf32, #tpu.memory_space<vmem_shared>>)
        tpu.yield
      }) : () -> ()
    } else {
    }
    %barrier3A = arith.constant 0 : index
    tpu.barrier barrier_id(%barrier3A)
    %mul3A_3 = arith.constant 32 : i32
    %mul3A_4 = arith.muli %add3A, %mul3A_3 : i32
    "tpu.region"() ({
      %run_scoped3A = tpu.sem_alloc : memref<!tpu.dma_semaphore, #tpu.memory_space<semaphore_mem>>
      %dma_start3A_116 = arith.constant 0 : i32
      %dma_start3A_117 = tpu.memref_slice %arg2[%mul3A_4, %dma_start3A_116] : memref<1024x128xi32, #tpu.memory_space<hbm>> -> memref<32x128xi32, #tpu.memory_space<hbm>>
      %dma_start3A_118 = arith.constant 0 : i32
      %dma_start3A_119 = tpu.memref_slice %arg2[%mul3A_4, %dma_start3A_118] : memref<1024x128xi32, #tpu.memory_space<hbm>> -> memref<32x128xi32, #tpu.memory_space<hbm>>
      tpu.enqueue_dma source(%dma_start3A_119 : memref<32x128xi32, #tpu.memory_space<hbm>>) target(%arg6 : memref<32x128xi32, #tpu.memory_space<vmem>>) target_semaphore(%run_scoped3A : memref<!tpu.dma_semaphore, #tpu.memory_space<semaphore_mem>>)
      %dma_wait3A_120 = arith.constant 0 : i32
      %dma_wait3A_121 = tpu.memref_slice %arg2[%mul3A_4, %dma_wait3A_120] : memref<1024x128xi32, #tpu.memory_space<hbm>> -> memref<32x128xi32, #tpu.memory_space<hbm>>
      %dma_wait3A_122 = arith.constant 0 : i32
      %dma_wait3A_123 = tpu.memref_slice %arg2[%mul3A_4, %dma_wait3A_122] : memref<1024x128xi32, #tpu.memory_space<hbm>> -> memref<32x128xi32, #tpu.memory_space<hbm>>
      tpu.wait_dma2 semaphore(%run_scoped3A : memref<!tpu.dma_semaphore, #tpu.memory_space<semaphore_mem>>) src(%dma_wait3A_123 : memref<32x128xi32, #tpu.memory_space<hbm>>) dst(%arg6 : memref<32x128xi32, #tpu.memory_space<vmem>>)
      tpu.yield
    }) : () -> ()
    %scan3A = arith.constant 0 : i32
    %scan3A_5 = arith.constant 0 : i32
    %scan3A_6 = arith.constant 8 : i32
    %scan3A_7 = arith.addi %scan3A_5, %scan3A_6 : i32
    %scan3A_8 = arith.constant 1 : i32
    scf.for %scan3A_116 = %scan3A_5 to %scan3A_7 step %scan3A_8  : i32 {
      %mul3A_117 = arith.constant 4 : i32
      %mul3A_118 = arith.muli %scan3A_116, %mul3A_117 : i32
      %add3A_119 = arith.constant 0 : i32
      %add3A_120 = arith.addi %mul3A_118, %add3A_119 : i32
      %gt3A = arith.constant 0 : i32
      %gt3A_121 = arith.cmpi sgt, %scan3A_116, %gt3A : i32
      %convert_element_type3A_122 = arith.extui %gt3A_121 : i1 to i32
      %cond3A_123 = arith.constant 0 : i32
      %cond3A_124 = arith.cmpi ne, %convert_element_type3A_122, %cond3A_123 : i32
      scf.if %cond3A_124 {
        %dma_wait3A_227 = arith.constant 0 : i32
        %dma_wait3A_228 = arith.constant 0 : i32
        %dma_wait3A_229 = arith.constant 0 : i32
        %dma_wait3A_230 = arith.constant 0 : i32
        %dma_wait3A_231 = tpu.memref_slice %arg7[%dma_wait3A_227, %dma_wait3A_229, %dma_wait3A_230] : memref<4x128x128xf32, #tpu.memory_space<vmem>> -> memref<1x128x128xf32, #tpu.memory_space<vmem>>
        %dma_wait3A_232 = tpu.memref_squeeze %dma_wait3A_231 : memref<1x128x128xf32, #tpu.memory_space<vmem>> -> memref<128x128xf32, #tpu.memory_space<vmem>>
        %dma_wait3A_233 = arith.constant 0 : i32
        %dma_wait3A_234 = arith.constant 0 : i32
        %dma_wait3A_235 = tpu.memref_slice %arg4[%dma_wait3A_233, %dma_wait3A_234] : memref<131072x128xf32, #tpu.memory_space<hbm>> -> memref<128x128xf32, #tpu.memory_space<hbm>>
        %dma_wait3A_236 = tpu.memref_slice %arg9[%dma_wait3A_228] : memref<4x!tpu.dma_semaphore, #tpu.memory_space<semaphore_mem>> -> memref<1x!tpu.dma_semaphore, #tpu.memory_space<semaphore_mem>>
        %dma_wait3A_237 = tpu.memref_squeeze %dma_wait3A_236 : memref<1x!tpu.dma_semaphore, #tpu.memory_space<semaphore_mem>> -> memref<!tpu.dma_semaphore, #tpu.memory_space<semaphore_mem>>
        %dma_wait3A_238 = arith.constant 0 : i32
        %dma_wait3A_239 = arith.constant 0 : i32
        %dma_wait3A_240 = tpu.memref_slice %arg4[%dma_wait3A_238, %dma_wait3A_239] : memref<131072x128xf32, #tpu.memory_space<hbm>> -> memref<128x128xf32, #tpu.memory_space<hbm>>
        %dma_wait3A_241 = arith.constant 0 : i32
        %dma_wait3A_242 = arith.constant 0 : i32
        %dma_wait3A_243 = tpu.memref_slice %arg7[%dma_wait3A_227, %dma_wait3A_241, %dma_wait3A_242] : memref<4x128x128xf32, #tpu.memory_space<vmem>> -> memref<1x128x128xf32, #tpu.memory_space<vmem>>
        %dma_wait3A_244 = tpu.memref_squeeze %dma_wait3A_243 : memref<1x128x128xf32, #tpu.memory_space<vmem>> -> memref<128x128xf32, #tpu.memory_space<vmem>>
        tpu.wait_dma2 semaphore(%dma_wait3A_237 : memref<!tpu.dma_semaphore, #tpu.memory_space<semaphore_mem>>) src(%dma_wait3A_244 : memref<128x128xf32, #tpu.memory_space<vmem>>) dst(%dma_wait3A_240 : memref<128x128xf32, #tpu.memory_space<hbm>>)
      } else {
      }
      %dma_start3A_125 = arith.constant 0 : i32
      %dma_start3A_126 = arith.constant 0 : i32
      %dma_start3A_127 = arith.constant 0 : i32
      %dma_start3A_128 = arith.constant 0 : i32
      %dma_start3A_129 = tpu.memref_slice %arg7[%dma_start3A_125, %dma_start3A_127, %dma_start3A_128] : memref<4x128x128xf32, #tpu.memory_space<vmem>> -> memref<1x128x128xf32, #tpu.memory_space<vmem>>
      %dma_start3A_130 = tpu.memref_squeeze %dma_start3A_129 : memref<1x128x128xf32, #tpu.memory_space<vmem>> -> memref<128x128xf32, #tpu.memory_space<vmem>>
      %dma_start3A_131 = arith.constant 0 : i32
      %dma_start3A_132 = tpu.memref_slice %arg6[%add3A_120, %dma_start3A_131] : memref<32x128xi32, #tpu.memory_space<vmem>> -> memref<1x128xi32, #tpu.memory_space<vmem>>
      %dma_start3A_133 = tpu.memref_squeeze %dma_start3A_132 : memref<1x128xi32, #tpu.memory_space<vmem>> -> memref<128xi32, #tpu.memory_space<vmem>>
      %dma_start3A_134 = arith.constant 0 : i32
      %dma_start3A_135 = arith.constant 0 : i32
      %dma_start3A_136 = tpu.memref_slice %arg5[%dma_start3A_134, %dma_start3A_135] : memref<400x128xf32, #tpu.memory_space<vmem_shared>> -> memref<400x128xf32, #tpu.memory_space<vmem_shared>>
      %dma_start3A_137 = tpu.memref_slice %arg8[%dma_start3A_126] : memref<4x!tpu.dma_semaphore, #tpu.memory_space<semaphore_mem>> -> memref<1x!tpu.dma_semaphore, #tpu.memory_space<semaphore_mem>>
      %dma_start3A_138 = tpu.memref_squeeze %dma_start3A_137 : memref<1x!tpu.dma_semaphore, #tpu.memory_space<semaphore_mem>> -> memref<!tpu.dma_semaphore, #tpu.memory_space<semaphore_mem>>
      tpu.enqueue_indirect_dma source(%dma_start3A_136 : memref<400x128xf32, #tpu.memory_space<vmem_shared>>) target(%dma_start3A_130 : memref<128x128xf32, #tpu.memory_space<vmem>>) offsets(%dma_start3A_133 : memref<128xi32, #tpu.memory_space<vmem>>) semaphore(%dma_start3A_138 : memref<!tpu.dma_semaphore, #tpu.memory_space<semaphore_mem>>)
      %ge3A = arith.constant 1 : i32
      %ge3A_139 = arith.cmpi sge, %add3A_120, %ge3A : i32
      %convert_element_type3A_140 = arith.extui %ge3A_139 : i1 to i32
      %cond3A_141 = arith.constant 0 : i32
      %cond3A_142 = arith.cmpi ne, %convert_element_type3A_140, %cond3A_141 : i32
      scf.if %cond3A_142 {
        %dma_wait3A_227 = arith.constant 0 : i32
        %dma_wait3A_228 = arith.constant 3 : i32
        %dma_wait3A_229 = arith.constant 3 : i32
        %dma_wait3A_230 = arith.constant 0 : i32
        %dma_wait3A_231 = arith.constant 0 : i32
        %dma_wait3A_232 = tpu.memref_slice %arg7[%dma_wait3A_228, %dma_wait3A_230, %dma_wait3A_231] : memref<4x128x128xf32, #tpu.memory_space<vmem>> -> memref<1x128x128xf32, #tpu.memory_space<vmem>>
        %dma_wait3A_233 = tpu.memref_squeeze %dma_wait3A_232 : memref<1x128x128xf32, #tpu.memory_space<vmem>> -> memref<128x128xf32, #tpu.memory_space<vmem>>
        %dma_wait3A_234 = arith.constant 0 : i32
        %dma_wait3A_235 = tpu.memref_slice %arg6[%dma_wait3A_227, %dma_wait3A_234] : memref<32x128xi32, #tpu.memory_space<vmem>> -> memref<1x128xi32, #tpu.memory_space<vmem>>
        %dma_wait3A_236 = tpu.memref_squeeze %dma_wait3A_235 : memref<1x128xi32, #tpu.memory_space<vmem>> -> memref<128xi32, #tpu.memory_space<vmem>>
        %dma_wait3A_237 = arith.constant 0 : i32
        %dma_wait3A_238 = arith.constant 0 : i32
        %dma_wait3A_239 = tpu.memref_slice %arg5[%dma_wait3A_237, %dma_wait3A_238] : memref<400x128xf32, #tpu.memory_space<vmem_shared>> -> memref<400x128xf32, #tpu.memory_space<vmem_shared>>
        %dma_wait3A_240 = tpu.memref_slice %arg8[%dma_wait3A_229] : memref<4x!tpu.dma_semaphore, #tpu.memory_space<semaphore_mem>> -> memref<1x!tpu.dma_semaphore, #tpu.memory_space<semaphore_mem>>
        %dma_wait3A_241 = tpu.memref_squeeze %dma_wait3A_240 : memref<1x!tpu.dma_semaphore, #tpu.memory_space<semaphore_mem>> -> memref<!tpu.dma_semaphore, #tpu.memory_space<semaphore_mem>>
        tpu.wait_indirect_dma semaphore(%dma_wait3A_241 : memref<!tpu.dma_semaphore, #tpu.memory_space<semaphore_mem>>) src(%dma_wait3A_239 : memref<400x128xf32, #tpu.memory_space<vmem_shared>>) dst(%dma_wait3A_233 : memref<128x128xf32, #tpu.memory_space<vmem>>)
        %add3A_242 = arith.addi %mul3A_4, %add3A_120 : i32
        %sub3A_243 = arith.constant 1 : i32
        %sub3A_244 = arith.subi %add3A_242, %sub3A_243 : i32
        %mul3A_245 = arith.constant 128 : i32
        %mul3A_246 = arith.muli %sub3A_244, %mul3A_245 : i32
        %dma_start3A_247 = arith.constant 3 : i32
        %dma_start3A_248 = arith.constant 3 : i32
        %dma_start3A_249 = arith.constant 0 : i32
        %dma_start3A_250 = arith.constant 0 : i32
        %dma_start3A_251 = tpu.memref_slice %arg7[%dma_start3A_247, %dma_start3A_249, %dma_start3A_250] : memref<4x128x128xf32, #tpu.memory_space<vmem>> -> memref<1x128x128xf32, #tpu.memory_space<vmem>>
        %dma_start3A_252 = tpu.memref_squeeze %dma_start3A_251 : memref<1x128x128xf32, #tpu.memory_space<vmem>> -> memref<128x128xf32, #tpu.memory_space<vmem>>
        %dma_start3A_253 = arith.constant 0 : i32
        %dma_start3A_254 = tpu.memref_slice %arg4[%mul3A_246, %dma_start3A_253] : memref<131072x128xf32, #tpu.memory_space<hbm>> -> memref<128x128xf32, #tpu.memory_space<hbm>>
        %dma_start3A_255 = tpu.memref_slice %arg9[%dma_start3A_248] : memref<4x!tpu.dma_semaphore, #tpu.memory_space<semaphore_mem>> -> memref<1x!tpu.dma_semaphore, #tpu.memory_space<semaphore_mem>>
        %dma_start3A_256 = tpu.memref_squeeze %dma_start3A_255 : memref<1x!tpu.dma_semaphore, #tpu.memory_space<semaphore_mem>> -> memref<!tpu.dma_semaphore, #tpu.memory_space<semaphore_mem>>
        %dma_start3A_257 = arith.constant 0 : i32
        %dma_start3A_258 = tpu.memref_slice %arg4[%mul3A_246, %dma_start3A_257] : memref<131072x128xf32, #tpu.memory_space<hbm>> -> memref<128x128xf32, #tpu.memory_space<hbm>>
        %dma_start3A_259 = arith.constant 0 : i32
        %dma_start3A_260 = arith.constant 0 : i32
        %dma_start3A_261 = tpu.memref_slice %arg7[%dma_start3A_247, %dma_start3A_259, %dma_start3A_260] : memref<4x128x128xf32, #tpu.memory_space<vmem>> -> memref<1x128x128xf32, #tpu.memory_space<vmem>>
        %dma_start3A_262 = tpu.memref_squeeze %dma_start3A_261 : memref<1x128x128xf32, #tpu.memory_space<vmem>> -> memref<128x128xf32, #tpu.memory_space<vmem>>
        tpu.enqueue_dma source(%dma_start3A_262 : memref<128x128xf32, #tpu.memory_space<vmem>>) target(%dma_start3A_258 : memref<128x128xf32, #tpu.memory_space<hbm>>) target_semaphore(%dma_start3A_256 : memref<!tpu.dma_semaphore, #tpu.memory_space<semaphore_mem>>)
      } else {
      }
      %mul3A_143 = arith.constant 4 : i32
      %mul3A_144 = arith.muli %scan3A_116, %mul3A_143 : i32
      %add3A_145 = arith.constant 1 : i32
      %add3A_146 = arith.addi %mul3A_144, %add3A_145 : i32
      %gt3A_147 = arith.constant 0 : i32
      %gt3A_148 = arith.cmpi sgt, %scan3A_116, %gt3A_147 : i32
      %convert_element_type3A_149 = arith.extui %gt3A_148 : i1 to i32
      %cond3A_150 = arith.constant 0 : i32
      %cond3A_151 = arith.cmpi ne, %convert_element_type3A_149, %cond3A_150 : i32
      scf.if %cond3A_151 {
        %dma_wait3A_227 = arith.constant 1 : i32
        %dma_wait3A_228 = arith.constant 1 : i32
        %dma_wait3A_229 = arith.constant 0 : i32
        %dma_wait3A_230 = arith.constant 0 : i32
        %dma_wait3A_231 = tpu.memref_slice %arg7[%dma_wait3A_227, %dma_wait3A_229, %dma_wait3A_230] : memref<4x128x128xf32, #tpu.memory_space<vmem>> -> memref<1x128x128xf32, #tpu.memory_space<vmem>>
        %dma_wait3A_232 = tpu.memref_squeeze %dma_wait3A_231 : memref<1x128x128xf32, #tpu.memory_space<vmem>> -> memref<128x128xf32, #tpu.memory_space<vmem>>
        %dma_wait3A_233 = arith.constant 0 : i32
        %dma_wait3A_234 = arith.constant 0 : i32
        %dma_wait3A_235 = tpu.memref_slice %arg4[%dma_wait3A_233, %dma_wait3A_234] : memref<131072x128xf32, #tpu.memory_space<hbm>> -> memref<128x128xf32, #tpu.memory_space<hbm>>
        %dma_wait3A_236 = tpu.memref_slice %arg9[%dma_wait3A_228] : memref<4x!tpu.dma_semaphore, #tpu.memory_space<semaphore_mem>> -> memref<1x!tpu.dma_semaphore, #tpu.memory_space<semaphore_mem>>
        %dma_wait3A_237 = tpu.memref_squeeze %dma_wait3A_236 : memref<1x!tpu.dma_semaphore, #tpu.memory_space<semaphore_mem>> -> memref<!tpu.dma_semaphore, #tpu.memory_space<semaphore_mem>>
        %dma_wait3A_238 = arith.constant 0 : i32
        %dma_wait3A_239 = arith.constant 0 : i32
        %dma_wait3A_240 = tpu.memref_slice %arg4[%dma_wait3A_238, %dma_wait3A_239] : memref<131072x128xf32, #tpu.memory_space<hbm>> -> memref<128x128xf32, #tpu.memory_space<hbm>>
        %dma_wait3A_241 = arith.constant 0 : i32
        %dma_wait3A_242 = arith.constant 0 : i32
        %dma_wait3A_243 = tpu.memref_slice %arg7[%dma_wait3A_227, %dma_wait3A_241, %dma_wait3A_242] : memref<4x128x128xf32, #tpu.memory_space<vmem>> -> memref<1x128x128xf32, #tpu.memory_space<vmem>>
        %dma_wait3A_244 = tpu.memref_squeeze %dma_wait3A_243 : memref<1x128x128xf32, #tpu.memory_space<vmem>> -> memref<128x128xf32, #tpu.memory_space<vmem>>
        tpu.wait_dma2 semaphore(%dma_wait3A_237 : memref<!tpu.dma_semaphore, #tpu.memory_space<semaphore_mem>>) src(%dma_wait3A_244 : memref<128x128xf32, #tpu.memory_space<vmem>>) dst(%dma_wait3A_240 : memref<128x128xf32, #tpu.memory_space<hbm>>)
      } else {
      }
      %dma_start3A_152 = arith.constant 1 : i32
      %dma_start3A_153 = arith.constant 1 : i32
      %dma_start3A_154 = arith.constant 0 : i32
      %dma_start3A_155 = arith.constant 0 : i32
      %dma_start3A_156 = tpu.memref_slice %arg7[%dma_start3A_152, %dma_start3A_154, %dma_start3A_155] : memref<4x128x128xf32, #tpu.memory_space<vmem>> -> memref<1x128x128xf32, #tpu.memory_space<vmem>>
      %dma_start3A_157 = tpu.memref_squeeze %dma_start3A_156 : memref<1x128x128xf32, #tpu.memory_space<vmem>> -> memref<128x128xf32, #tpu.memory_space<vmem>>
      %dma_start3A_158 = arith.constant 0 : i32
      %dma_start3A_159 = tpu.memref_slice %arg6[%add3A_146, %dma_start3A_158] : memref<32x128xi32, #tpu.memory_space<vmem>> -> memref<1x128xi32, #tpu.memory_space<vmem>>
      %dma_start3A_160 = tpu.memref_squeeze %dma_start3A_159 : memref<1x128xi32, #tpu.memory_space<vmem>> -> memref<128xi32, #tpu.memory_space<vmem>>
      %dma_start3A_161 = arith.constant 0 : i32
      %dma_start3A_162 = arith.constant 0 : i32
      %dma_start3A_163 = tpu.memref_slice %arg5[%dma_start3A_161, %dma_start3A_162] : memref<400x128xf32, #tpu.memory_space<vmem_shared>> -> memref<400x128xf32, #tpu.memory_space<vmem_shared>>
      %dma_start3A_164 = tpu.memref_slice %arg8[%dma_start3A_153] : memref<4x!tpu.dma_semaphore, #tpu.memory_space<semaphore_mem>> -> memref<1x!tpu.dma_semaphore, #tpu.memory_space<semaphore_mem>>
      %dma_start3A_165 = tpu.memref_squeeze %dma_start3A_164 : memref<1x!tpu.dma_semaphore, #tpu.memory_space<semaphore_mem>> -> memref<!tpu.dma_semaphore, #tpu.memory_space<semaphore_mem>>
      tpu.enqueue_indirect_dma source(%dma_start3A_163 : memref<400x128xf32, #tpu.memory_space<vmem_shared>>) target(%dma_start3A_157 : memref<128x128xf32, #tpu.memory_space<vmem>>) offsets(%dma_start3A_160 : memref<128xi32, #tpu.memory_space<vmem>>) semaphore(%dma_start3A_165 : memref<!tpu.dma_semaphore, #tpu.memory_space<semaphore_mem>>)
      %ge3A_166 = arith.constant 1 : i32
      %ge3A_167 = arith.cmpi sge, %add3A_146, %ge3A_166 : i32
      %convert_element_type3A_168 = arith.extui %ge3A_167 : i1 to i32
      %cond3A_169 = arith.constant 0 : i32
      %cond3A_170 = arith.cmpi ne, %convert_element_type3A_168, %cond3A_169 : i32
      scf.if %cond3A_170 {
        %dma_wait3A_227 = arith.constant 0 : i32
        %dma_wait3A_228 = arith.constant 0 : i32
        %dma_wait3A_229 = arith.constant 0 : i32
        %dma_wait3A_230 = arith.constant 0 : i32
        %dma_wait3A_231 = arith.constant 0 : i32
        %dma_wait3A_232 = tpu.memref_slice %arg7[%dma_wait3A_228, %dma_wait3A_230, %dma_wait3A_231] : memref<4x128x128xf32, #tpu.memory_space<vmem>> -> memref<1x128x128xf32, #tpu.memory_space<vmem>>
        %dma_wait3A_233 = tpu.memref_squeeze %dma_wait3A_232 : memref<1x128x128xf32, #tpu.memory_space<vmem>> -> memref<128x128xf32, #tpu.memory_space<vmem>>
        %dma_wait3A_234 = arith.constant 0 : i32
        %dma_wait3A_235 = tpu.memref_slice %arg6[%dma_wait3A_227, %dma_wait3A_234] : memref<32x128xi32, #tpu.memory_space<vmem>> -> memref<1x128xi32, #tpu.memory_space<vmem>>
        %dma_wait3A_236 = tpu.memref_squeeze %dma_wait3A_235 : memref<1x128xi32, #tpu.memory_space<vmem>> -> memref<128xi32, #tpu.memory_space<vmem>>
        %dma_wait3A_237 = arith.constant 0 : i32
        %dma_wait3A_238 = arith.constant 0 : i32
        %dma_wait3A_239 = tpu.memref_slice %arg5[%dma_wait3A_237, %dma_wait3A_238] : memref<400x128xf32, #tpu.memory_space<vmem_shared>> -> memref<400x128xf32, #tpu.memory_space<vmem_shared>>
        %dma_wait3A_240 = tpu.memref_slice %arg8[%dma_wait3A_229] : memref<4x!tpu.dma_semaphore, #tpu.memory_space<semaphore_mem>> -> memref<1x!tpu.dma_semaphore, #tpu.memory_space<semaphore_mem>>
        %dma_wait3A_241 = tpu.memref_squeeze %dma_wait3A_240 : memref<1x!tpu.dma_semaphore, #tpu.memory_space<semaphore_mem>> -> memref<!tpu.dma_semaphore, #tpu.memory_space<semaphore_mem>>
        tpu.wait_indirect_dma semaphore(%dma_wait3A_241 : memref<!tpu.dma_semaphore, #tpu.memory_space<semaphore_mem>>) src(%dma_wait3A_239 : memref<400x128xf32, #tpu.memory_space<vmem_shared>>) dst(%dma_wait3A_233 : memref<128x128xf32, #tpu.memory_space<vmem>>)
        %add3A_242 = arith.addi %mul3A_4, %add3A_146 : i32
        %sub3A_243 = arith.constant 1 : i32
        %sub3A_244 = arith.subi %add3A_242, %sub3A_243 : i32
        %mul3A_245 = arith.constant 128 : i32
        %mul3A_246 = arith.muli %sub3A_244, %mul3A_245 : i32
        %dma_start3A_247 = arith.constant 0 : i32
        %dma_start3A_248 = arith.constant 0 : i32
        %dma_start3A_249 = arith.constant 0 : i32
        %dma_start3A_250 = arith.constant 0 : i32
        %dma_start3A_251 = tpu.memref_slice %arg7[%dma_start3A_247, %dma_start3A_249, %dma_start3A_250] : memref<4x128x128xf32, #tpu.memory_space<vmem>> -> memref<1x128x128xf32, #tpu.memory_space<vmem>>
        %dma_start3A_252 = tpu.memref_squeeze %dma_start3A_251 : memref<1x128x128xf32, #tpu.memory_space<vmem>> -> memref<128x128xf32, #tpu.memory_space<vmem>>
        %dma_start3A_253 = arith.constant 0 : i32
        %dma_start3A_254 = tpu.memref_slice %arg4[%mul3A_246, %dma_start3A_253] : memref<131072x128xf32, #tpu.memory_space<hbm>> -> memref<128x128xf32, #tpu.memory_space<hbm>>
        %dma_start3A_255 = tpu.memref_slice %arg9[%dma_start3A_248] : memref<4x!tpu.dma_semaphore, #tpu.memory_space<semaphore_mem>> -> memref<1x!tpu.dma_semaphore, #tpu.memory_space<semaphore_mem>>
        %dma_start3A_256 = tpu.memref_squeeze %dma_start3A_255 : memref<1x!tpu.dma_semaphore, #tpu.memory_space<semaphore_mem>> -> memref<!tpu.dma_semaphore, #tpu.memory_space<semaphore_mem>>
        %dma_start3A_257 = arith.constant 0 : i32
        %dma_start3A_258 = tpu.memref_slice %arg4[%mul3A_246, %dma_start3A_257] : memref<131072x128xf32, #tpu.memory_space<hbm>> -> memref<128x128xf32, #tpu.memory_space<hbm>>
        %dma_start3A_259 = arith.constant 0 : i32
        %dma_start3A_260 = arith.constant 0 : i32
        %dma_start3A_261 = tpu.memref_slice %arg7[%dma_start3A_247, %dma_start3A_259, %dma_start3A_260] : memref<4x128x128xf32, #tpu.memory_space<vmem>> -> memref<1x128x128xf32, #tpu.memory_space<vmem>>
        %dma_start3A_262 = tpu.memref_squeeze %dma_start3A_261 : memref<1x128x128xf32, #tpu.memory_space<vmem>> -> memref<128x128xf32, #tpu.memory_space<vmem>>
        tpu.enqueue_dma source(%dma_start3A_262 : memref<128x128xf32, #tpu.memory_space<vmem>>) target(%dma_start3A_258 : memref<128x128xf32, #tpu.memory_space<hbm>>) target_semaphore(%dma_start3A_256 : memref<!tpu.dma_semaphore, #tpu.memory_space<semaphore_mem>>)
      } else {
      }
      %mul3A_171 = arith.constant 4 : i32
      %mul3A_172 = arith.muli %scan3A_116, %mul3A_171 : i32
      %add3A_173 = arith.constant 2 : i32
      %add3A_174 = arith.addi %mul3A_172, %add3A_173 : i32
      %gt3A_175 = arith.constant 0 : i32
      %gt3A_176 = arith.cmpi sgt, %scan3A_116, %gt3A_175 : i32
      %convert_element_type3A_177 = arith.extui %gt3A_176 : i1 to i32
      %cond3A_178 = arith.constant 0 : i32
      %cond3A_179 = arith.cmpi ne, %convert_element_type3A_177, %cond3A_178 : i32
      scf.if %cond3A_179 {
        %dma_wait3A_227 = arith.constant 2 : i32
        %dma_wait3A_228 = arith.constant 2 : i32
        %dma_wait3A_229 = arith.constant 0 : i32
        %dma_wait3A_230 = arith.constant 0 : i32
        %dma_wait3A_231 = tpu.memref_slice %arg7[%dma_wait3A_227, %dma_wait3A_229, %dma_wait3A_230] : memref<4x128x128xf32, #tpu.memory_space<vmem>> -> memref<1x128x128xf32, #tpu.memory_space<vmem>>
        %dma_wait3A_232 = tpu.memref_squeeze %dma_wait3A_231 : memref<1x128x128xf32, #tpu.memory_space<vmem>> -> memref<128x128xf32, #tpu.memory_space<vmem>>
        %dma_wait3A_233 = arith.constant 0 : i32
        %dma_wait3A_234 = arith.constant 0 : i32
        %dma_wait3A_235 = tpu.memref_slice %arg4[%dma_wait3A_233, %dma_wait3A_234] : memref<131072x128xf32, #tpu.memory_space<hbm>> -> memref<128x128xf32, #tpu.memory_space<hbm>>
        %dma_wait3A_236 = tpu.memref_slice %arg9[%dma_wait3A_228] : memref<4x!tpu.dma_semaphore, #tpu.memory_space<semaphore_mem>> -> memref<1x!tpu.dma_semaphore, #tpu.memory_space<semaphore_mem>>
        %dma_wait3A_237 = tpu.memref_squeeze %dma_wait3A_236 : memref<1x!tpu.dma_semaphore, #tpu.memory_space<semaphore_mem>> -> memref<!tpu.dma_semaphore, #tpu.memory_space<semaphore_mem>>
        %dma_wait3A_238 = arith.constant 0 : i32
        %dma_wait3A_239 = arith.constant 0 : i32
        %dma_wait3A_240 = tpu.memref_slice %arg4[%dma_wait3A_238, %dma_wait3A_239] : memref<131072x128xf32, #tpu.memory_space<hbm>> -> memref<128x128xf32, #tpu.memory_space<hbm>>
        %dma_wait3A_241 = arith.constant 0 : i32
        %dma_wait3A_242 = arith.constant 0 : i32
        %dma_wait3A_243 = tpu.memref_slice %arg7[%dma_wait3A_227, %dma_wait3A_241, %dma_wait3A_242] : memref<4x128x128xf32, #tpu.memory_space<vmem>> -> memref<1x128x128xf32, #tpu.memory_space<vmem>>
        %dma_wait3A_244 = tpu.memref_squeeze %dma_wait3A_243 : memref<1x128x128xf32, #tpu.memory_space<vmem>> -> memref<128x128xf32, #tpu.memory_space<vmem>>
        tpu.wait_dma2 semaphore(%dma_wait3A_237 : memref<!tpu.dma_semaphore, #tpu.memory_space<semaphore_mem>>) src(%dma_wait3A_244 : memref<128x128xf32, #tpu.memory_space<vmem>>) dst(%dma_wait3A_240 : memref<128x128xf32, #tpu.memory_space<hbm>>)
      } else {
      }
      %dma_start3A_180 = arith.constant 2 : i32
      %dma_start3A_181 = arith.constant 2 : i32
      %dma_start3A_182 = arith.constant 0 : i32
      %dma_start3A_183 = arith.constant 0 : i32
      %dma_start3A_184 = tpu.memref_slice %arg7[%dma_start3A_180, %dma_start3A_182, %dma_start3A_183] : memref<4x128x128xf32, #tpu.memory_space<vmem>> -> memref<1x128x128xf32, #tpu.memory_space<vmem>>
      %dma_start3A_185 = tpu.memref_squeeze %dma_start3A_184 : memref<1x128x128xf32, #tpu.memory_space<vmem>> -> memref<128x128xf32, #tpu.memory_space<vmem>>
      %dma_start3A_186 = arith.constant 0 : i32
      %dma_start3A_187 = tpu.memref_slice %arg6[%add3A_174, %dma_start3A_186] : memref<32x128xi32, #tpu.memory_space<vmem>> -> memref<1x128xi32, #tpu.memory_space<vmem>>
      %dma_start3A_188 = tpu.memref_squeeze %dma_start3A_187 : memref<1x128xi32, #tpu.memory_space<vmem>> -> memref<128xi32, #tpu.memory_space<vmem>>
      %dma_start3A_189 = arith.constant 0 : i32
      %dma_start3A_190 = arith.constant 0 : i32
      %dma_start3A_191 = tpu.memref_slice %arg5[%dma_start3A_189, %dma_start3A_190] : memref<400x128xf32, #tpu.memory_space<vmem_shared>> -> memref<400x128xf32, #tpu.memory_space<vmem_shared>>
      %dma_start3A_192 = tpu.memref_slice %arg8[%dma_start3A_181] : memref<4x!tpu.dma_semaphore, #tpu.memory_space<semaphore_mem>> -> memref<1x!tpu.dma_semaphore, #tpu.memory_space<semaphore_mem>>
      %dma_start3A_193 = tpu.memref_squeeze %dma_start3A_192 : memref<1x!tpu.dma_semaphore, #tpu.memory_space<semaphore_mem>> -> memref<!tpu.dma_semaphore, #tpu.memory_space<semaphore_mem>>
      tpu.enqueue_indirect_dma source(%dma_start3A_191 : memref<400x128xf32, #tpu.memory_space<vmem_shared>>) target(%dma_start3A_185 : memref<128x128xf32, #tpu.memory_space<vmem>>) offsets(%dma_start3A_188 : memref<128xi32, #tpu.memory_space<vmem>>) semaphore(%dma_start3A_193 : memref<!tpu.dma_semaphore, #tpu.memory_space<semaphore_mem>>)
      %ge3A_194 = arith.constant 1 : i32
      %ge3A_195 = arith.cmpi sge, %add3A_174, %ge3A_194 : i32
      %convert_element_type3A_196 = arith.extui %ge3A_195 : i1 to i32
      %cond3A_197 = arith.constant 0 : i32
      %cond3A_198 = arith.cmpi ne, %convert_element_type3A_196, %cond3A_197 : i32
      scf.if %cond3A_198 {
        %dma_wait3A_227 = arith.constant 0 : i32
        %dma_wait3A_228 = arith.constant 1 : i32
        %dma_wait3A_229 = arith.constant 1 : i32
        %dma_wait3A_230 = arith.constant 0 : i32
        %dma_wait3A_231 = arith.constant 0 : i32
        %dma_wait3A_232 = tpu.memref_slice %arg7[%dma_wait3A_228, %dma_wait3A_230, %dma_wait3A_231] : memref<4x128x128xf32, #tpu.memory_space<vmem>> -> memref<1x128x128xf32, #tpu.memory_space<vmem>>
        %dma_wait3A_233 = tpu.memref_squeeze %dma_wait3A_232 : memref<1x128x128xf32, #tpu.memory_space<vmem>> -> memref<128x128xf32, #tpu.memory_space<vmem>>
        %dma_wait3A_234 = arith.constant 0 : i32
        %dma_wait3A_235 = tpu.memref_slice %arg6[%dma_wait3A_227, %dma_wait3A_234] : memref<32x128xi32, #tpu.memory_space<vmem>> -> memref<1x128xi32, #tpu.memory_space<vmem>>
        %dma_wait3A_236 = tpu.memref_squeeze %dma_wait3A_235 : memref<1x128xi32, #tpu.memory_space<vmem>> -> memref<128xi32, #tpu.memory_space<vmem>>
        %dma_wait3A_237 = arith.constant 0 : i32
        %dma_wait3A_238 = arith.constant 0 : i32
        %dma_wait3A_239 = tpu.memref_slice %arg5[%dma_wait3A_237, %dma_wait3A_238] : memref<400x128xf32, #tpu.memory_space<vmem_shared>> -> memref<400x128xf32, #tpu.memory_space<vmem_shared>>
        %dma_wait3A_240 = tpu.memref_slice %arg8[%dma_wait3A_229] : memref<4x!tpu.dma_semaphore, #tpu.memory_space<semaphore_mem>> -> memref<1x!tpu.dma_semaphore, #tpu.memory_space<semaphore_mem>>
        %dma_wait3A_241 = tpu.memref_squeeze %dma_wait3A_240 : memref<1x!tpu.dma_semaphore, #tpu.memory_space<semaphore_mem>> -> memref<!tpu.dma_semaphore, #tpu.memory_space<semaphore_mem>>
        tpu.wait_indirect_dma semaphore(%dma_wait3A_241 : memref<!tpu.dma_semaphore, #tpu.memory_space<semaphore_mem>>) src(%dma_wait3A_239 : memref<400x128xf32, #tpu.memory_space<vmem_shared>>) dst(%dma_wait3A_233 : memref<128x128xf32, #tpu.memory_space<vmem>>)
        %add3A_242 = arith.addi %mul3A_4, %add3A_174 : i32
        %sub3A_243 = arith.constant 1 : i32
        %sub3A_244 = arith.subi %add3A_242, %sub3A_243 : i32
        %mul3A_245 = arith.constant 128 : i32
        %mul3A_246 = arith.muli %sub3A_244, %mul3A_245 : i32
        %dma_start3A_247 = arith.constant 1 : i32
        %dma_start3A_248 = arith.constant 1 : i32
        %dma_start3A_249 = arith.constant 0 : i32
        %dma_start3A_250 = arith.constant 0 : i32
        %dma_start3A_251 = tpu.memref_slice %arg7[%dma_start3A_247, %dma_start3A_249, %dma_start3A_250] : memref<4x128x128xf32, #tpu.memory_space<vmem>> -> memref<1x128x128xf32, #tpu.memory_space<vmem>>
        %dma_start3A_252 = tpu.memref_squeeze %dma_start3A_251 : memref<1x128x128xf32, #tpu.memory_space<vmem>> -> memref<128x128xf32, #tpu.memory_space<vmem>>
        %dma_start3A_253 = arith.constant 0 : i32
        %dma_start3A_254 = tpu.memref_slice %arg4[%mul3A_246, %dma_start3A_253] : memref<131072x128xf32, #tpu.memory_space<hbm>> -> memref<128x128xf32, #tpu.memory_space<hbm>>
        %dma_start3A_255 = tpu.memref_slice %arg9[%dma_start3A_248] : memref<4x!tpu.dma_semaphore, #tpu.memory_space<semaphore_mem>> -> memref<1x!tpu.dma_semaphore, #tpu.memory_space<semaphore_mem>>
        %dma_start3A_256 = tpu.memref_squeeze %dma_start3A_255 : memref<1x!tpu.dma_semaphore, #tpu.memory_space<semaphore_mem>> -> memref<!tpu.dma_semaphore, #tpu.memory_space<semaphore_mem>>
        %dma_start3A_257 = arith.constant 0 : i32
        %dma_start3A_258 = tpu.memref_slice %arg4[%mul3A_246, %dma_start3A_257] : memref<131072x128xf32, #tpu.memory_space<hbm>> -> memref<128x128xf32, #tpu.memory_space<hbm>>
        %dma_start3A_259 = arith.constant 0 : i32
        %dma_start3A_260 = arith.constant 0 : i32
        %dma_start3A_261 = tpu.memref_slice %arg7[%dma_start3A_247, %dma_start3A_259, %dma_start3A_260] : memref<4x128x128xf32, #tpu.memory_space<vmem>> -> memref<1x128x128xf32, #tpu.memory_space<vmem>>
        %dma_start3A_262 = tpu.memref_squeeze %dma_start3A_261 : memref<1x128x128xf32, #tpu.memory_space<vmem>> -> memref<128x128xf32, #tpu.memory_space<vmem>>
        tpu.enqueue_dma source(%dma_start3A_262 : memref<128x128xf32, #tpu.memory_space<vmem>>) target(%dma_start3A_258 : memref<128x128xf32, #tpu.memory_space<hbm>>) target_semaphore(%dma_start3A_256 : memref<!tpu.dma_semaphore, #tpu.memory_space<semaphore_mem>>)
      } else {
      }
      %mul3A_199 = arith.constant 4 : i32
      %mul3A_200 = arith.muli %scan3A_116, %mul3A_199 : i32
      %add3A_201 = arith.constant 3 : i32
      %add3A_202 = arith.addi %mul3A_200, %add3A_201 : i32
      %gt3A_203 = arith.constant 0 : i32
      %gt3A_204 = arith.cmpi sgt, %scan3A_116, %gt3A_203 : i32
      %convert_element_type3A_205 = arith.extui %gt3A_204 : i1 to i32
      %cond3A_206 = arith.constant 0 : i32
      %cond3A_207 = arith.cmpi ne, %convert_element_type3A_205, %cond3A_206 : i32
      scf.if %cond3A_207 {
        %dma_wait3A_227 = arith.constant 3 : i32
        %dma_wait3A_228 = arith.constant 3 : i32
        %dma_wait3A_229 = arith.constant 0 : i32
        %dma_wait3A_230 = arith.constant 0 : i32
        %dma_wait3A_231 = tpu.memref_slice %arg7[%dma_wait3A_227, %dma_wait3A_229, %dma_wait3A_230] : memref<4x128x128xf32, #tpu.memory_space<vmem>> -> memref<1x128x128xf32, #tpu.memory_space<vmem>>
        %dma_wait3A_232 = tpu.memref_squeeze %dma_wait3A_231 : memref<1x128x128xf32, #tpu.memory_space<vmem>> -> memref<128x128xf32, #tpu.memory_space<vmem>>
        %dma_wait3A_233 = arith.constant 0 : i32
        %dma_wait3A_234 = arith.constant 0 : i32
        %dma_wait3A_235 = tpu.memref_slice %arg4[%dma_wait3A_233, %dma_wait3A_234] : memref<131072x128xf32, #tpu.memory_space<hbm>> -> memref<128x128xf32, #tpu.memory_space<hbm>>
        %dma_wait3A_236 = tpu.memref_slice %arg9[%dma_wait3A_228] : memref<4x!tpu.dma_semaphore, #tpu.memory_space<semaphore_mem>> -> memref<1x!tpu.dma_semaphore, #tpu.memory_space<semaphore_mem>>
        %dma_wait3A_237 = tpu.memref_squeeze %dma_wait3A_236 : memref<1x!tpu.dma_semaphore, #tpu.memory_space<semaphore_mem>> -> memref<!tpu.dma_semaphore, #tpu.memory_space<semaphore_mem>>
        %dma_wait3A_238 = arith.constant 0 : i32
        %dma_wait3A_239 = arith.constant 0 : i32
        %dma_wait3A_240 = tpu.memref_slice %arg4[%dma_wait3A_238, %dma_wait3A_239] : memref<131072x128xf32, #tpu.memory_space<hbm>> -> memref<128x128xf32, #tpu.memory_space<hbm>>
        %dma_wait3A_241 = arith.constant 0 : i32
        %dma_wait3A_242 = arith.constant 0 : i32
        %dma_wait3A_243 = tpu.memref_slice %arg7[%dma_wait3A_227, %dma_wait3A_241, %dma_wait3A_242] : memref<4x128x128xf32, #tpu.memory_space<vmem>> -> memref<1x128x128xf32, #tpu.memory_space<vmem>>
        %dma_wait3A_244 = tpu.memref_squeeze %dma_wait3A_243 : memref<1x128x128xf32, #tpu.memory_space<vmem>> -> memref<128x128xf32, #tpu.memory_space<vmem>>
        tpu.wait_dma2 semaphore(%dma_wait3A_237 : memref<!tpu.dma_semaphore, #tpu.memory_space<semaphore_mem>>) src(%dma_wait3A_244 : memref<128x128xf32, #tpu.memory_space<vmem>>) dst(%dma_wait3A_240 : memref<128x128xf32, #tpu.memory_space<hbm>>)
      } else {
      }
      %dma_start3A_208 = arith.constant 3 : i32
      %dma_start3A_209 = arith.constant 3 : i32
      %dma_start3A_210 = arith.constant 0 : i32
      %dma_start3A_211 = arith.constant 0 : i32
      %dma_start3A_212 = tpu.memref_slice %arg7[%dma_start3A_208, %dma_start3A_210, %dma_start3A_211] : memref<4x128x128xf32, #tpu.memory_space<vmem>> -> memref<1x128x128xf32, #tpu.memory_space<vmem>>
      %dma_start3A_213 = tpu.memref_squeeze %dma_start3A_212 : memref<1x128x128xf32, #tpu.memory_space<vmem>> -> memref<128x128xf32, #tpu.memory_space<vmem>>
      %dma_start3A_214 = arith.constant 0 : i32
      %dma_start3A_215 = tpu.memref_slice %arg6[%add3A_202, %dma_start3A_214] : memref<32x128xi32, #tpu.memory_space<vmem>> -> memref<1x128xi32, #tpu.memory_space<vmem>>
      %dma_start3A_216 = tpu.memref_squeeze %dma_start3A_215 : memref<1x128xi32, #tpu.memory_space<vmem>> -> memref<128xi32, #tpu.memory_space<vmem>>
      %dma_start3A_217 = arith.constant 0 : i32
      %dma_start3A_218 = arith.constant 0 : i32
      %dma_start3A_219 = tpu.memref_slice %arg5[%dma_start3A_217, %dma_start3A_218] : memref<400x128xf32, #tpu.memory_space<vmem_shared>> -> memref<400x128xf32, #tpu.memory_space<vmem_shared>>
      %dma_start3A_220 = tpu.memref_slice %arg8[%dma_start3A_209] : memref<4x!tpu.dma_semaphore, #tpu.memory_space<semaphore_mem>> -> memref<1x!tpu.dma_semaphore, #tpu.memory_space<semaphore_mem>>
      %dma_start3A_221 = tpu.memref_squeeze %dma_start3A_220 : memref<1x!tpu.dma_semaphore, #tpu.memory_space<semaphore_mem>> -> memref<!tpu.dma_semaphore, #tpu.memory_space<semaphore_mem>>
      tpu.enqueue_indirect_dma source(%dma_start3A_219 : memref<400x128xf32, #tpu.memory_space<vmem_shared>>) target(%dma_start3A_213 : memref<128x128xf32, #tpu.memory_space<vmem>>) offsets(%dma_start3A_216 : memref<128xi32, #tpu.memory_space<vmem>>) semaphore(%dma_start3A_221 : memref<!tpu.dma_semaphore, #tpu.memory_space<semaphore_mem>>)
      %ge3A_222 = arith.constant 1 : i32
      %ge3A_223 = arith.cmpi sge, %add3A_202, %ge3A_222 : i32
      %convert_element_type3A_224 = arith.extui %ge3A_223 : i1 to i32
      %cond3A_225 = arith.constant 0 : i32
      %cond3A_226 = arith.cmpi ne, %convert_element_type3A_224, %cond3A_225 : i32
      scf.if %cond3A_226 {
        %dma_wait3A_227 = arith.constant 0 : i32
        %dma_wait3A_228 = arith.constant 2 : i32
        %dma_wait3A_229 = arith.constant 2 : i32
        %dma_wait3A_230 = arith.constant 0 : i32
        %dma_wait3A_231 = arith.constant 0 : i32
        %dma_wait3A_232 = tpu.memref_slice %arg7[%dma_wait3A_228, %dma_wait3A_230, %dma_wait3A_231] : memref<4x128x128xf32, #tpu.memory_space<vmem>> -> memref<1x128x128xf32, #tpu.memory_space<vmem>>
        %dma_wait3A_233 = tpu.memref_squeeze %dma_wait3A_232 : memref<1x128x128xf32, #tpu.memory_space<vmem>> -> memref<128x128xf32, #tpu.memory_space<vmem>>
        %dma_wait3A_234 = arith.constant 0 : i32
        %dma_wait3A_235 = tpu.memref_slice %arg6[%dma_wait3A_227, %dma_wait3A_234] : memref<32x128xi32, #tpu.memory_space<vmem>> -> memref<1x128xi32, #tpu.memory_space<vmem>>
        %dma_wait3A_236 = tpu.memref_squeeze %dma_wait3A_235 : memref<1x128xi32, #tpu.memory_space<vmem>> -> memref<128xi32, #tpu.memory_space<vmem>>
        %dma_wait3A_237 = arith.constant 0 : i32
        %dma_wait3A_238 = arith.constant 0 : i32
        %dma_wait3A_239 = tpu.memref_slice %arg5[%dma_wait3A_237, %dma_wait3A_238] : memref<400x128xf32, #tpu.memory_space<vmem_shared>> -> memref<400x128xf32, #tpu.memory_space<vmem_shared>>
        %dma_wait3A_240 = tpu.memref_slice %arg8[%dma_wait3A_229] : memref<4x!tpu.dma_semaphore, #tpu.memory_space<semaphore_mem>> -> memref<1x!tpu.dma_semaphore, #tpu.memory_space<semaphore_mem>>
        %dma_wait3A_241 = tpu.memref_squeeze %dma_wait3A_240 : memref<1x!tpu.dma_semaphore, #tpu.memory_space<semaphore_mem>> -> memref<!tpu.dma_semaphore, #tpu.memory_space<semaphore_mem>>
        tpu.wait_indirect_dma semaphore(%dma_wait3A_241 : memref<!tpu.dma_semaphore, #tpu.memory_space<semaphore_mem>>) src(%dma_wait3A_239 : memref<400x128xf32, #tpu.memory_space<vmem_shared>>) dst(%dma_wait3A_233 : memref<128x128xf32, #tpu.memory_space<vmem>>)
        %add3A_242 = arith.addi %mul3A_4, %add3A_202 : i32
        %sub3A_243 = arith.constant 1 : i32
        %sub3A_244 = arith.subi %add3A_242, %sub3A_243 : i32
        %mul3A_245 = arith.constant 128 : i32
        %mul3A_246 = arith.muli %sub3A_244, %mul3A_245 : i32
        %dma_start3A_247 = arith.constant 2 : i32
        %dma_start3A_248 = arith.constant 2 : i32
        %dma_start3A_249 = arith.constant 0 : i32
        %dma_start3A_250 = arith.constant 0 : i32
        %dma_start3A_251 = tpu.memref_slice %arg7[%dma_start3A_247, %dma_start3A_249, %dma_start3A_250] : memref<4x128x128xf32, #tpu.memory_space<vmem>> -> memref<1x128x128xf32, #tpu.memory_space<vmem>>
        %dma_start3A_252 = tpu.memref_squeeze %dma_start3A_251 : memref<1x128x128xf32, #tpu.memory_space<vmem>> -> memref<128x128xf32, #tpu.memory_space<vmem>>
        %dma_start3A_253 = arith.constant 0 : i32
        %dma_start3A_254 = tpu.memref_slice %arg4[%mul3A_246, %dma_start3A_253] : memref<131072x128xf32, #tpu.memory_space<hbm>> -> memref<128x128xf32, #tpu.memory_space<hbm>>
        %dma_start3A_255 = tpu.memref_slice %arg9[%dma_start3A_248] : memref<4x!tpu.dma_semaphore, #tpu.memory_space<semaphore_mem>> -> memref<1x!tpu.dma_semaphore, #tpu.memory_space<semaphore_mem>>
        %dma_start3A_256 = tpu.memref_squeeze %dma_start3A_255 : memref<1x!tpu.dma_semaphore, #tpu.memory_space<semaphore_mem>> -> memref<!tpu.dma_semaphore, #tpu.memory_space<semaphore_mem>>
        %dma_start3A_257 = arith.constant 0 : i32
        %dma_start3A_258 = tpu.memref_slice %arg4[%mul3A_246, %dma_start3A_257] : memref<131072x128xf32, #tpu.memory_space<hbm>> -> memref<128x128xf32, #tpu.memory_space<hbm>>
        %dma_start3A_259 = arith.constant 0 : i32
        %dma_start3A_260 = arith.constant 0 : i32
        %dma_start3A_261 = tpu.memref_slice %arg7[%dma_start3A_247, %dma_start3A_259, %dma_start3A_260] : memref<4x128x128xf32, #tpu.memory_space<vmem>> -> memref<1x128x128xf32, #tpu.memory_space<vmem>>
        %dma_start3A_262 = tpu.memref_squeeze %dma_start3A_261 : memref<1x128x128xf32, #tpu.memory_space<vmem>> -> memref<128x128xf32, #tpu.memory_space<vmem>>
        tpu.enqueue_dma source(%dma_start3A_262 : memref<128x128xf32, #tpu.memory_space<vmem>>) target(%dma_start3A_258 : memref<128x128xf32, #tpu.memory_space<hbm>>) target_semaphore(%dma_start3A_256 : memref<!tpu.dma_semaphore, #tpu.memory_space<semaphore_mem>>)
      } else {
      }
    }
    %scan3A_9 = arith.constant 8 : i32
    %dma_wait3A = arith.constant 0 : i32
    %dma_wait3A_10 = arith.constant 3 : i32
    %dma_wait3A_11 = arith.constant 3 : i32
    %dma_wait3A_12 = arith.constant 0 : i32
    %dma_wait3A_13 = arith.constant 0 : i32
    %dma_wait3A_14 = tpu.memref_slice %arg7[%dma_wait3A_10, %dma_wait3A_12, %dma_wait3A_13] : memref<4x128x128xf32, #tpu.memory_space<vmem>> -> memref<1x128x128xf32, #tpu.memory_space<vmem>>
    %dma_wait3A_15 = tpu.memref_squeeze %dma_wait3A_14 : memref<1x128x128xf32, #tpu.memory_space<vmem>> -> memref<128x128xf32, #tpu.memory_space<vmem>>
    %dma_wait3A_16 = arith.constant 0 : i32
    %dma_wait3A_17 = tpu.memref_slice %arg6[%dma_wait3A, %dma_wait3A_16] : memref<32x128xi32, #tpu.memory_space<vmem>> -> memref<1x128xi32, #tpu.memory_space<vmem>>
    %dma_wait3A_18 = tpu.memref_squeeze %dma_wait3A_17 : memref<1x128xi32, #tpu.memory_space<vmem>> -> memref<128xi32, #tpu.memory_space<vmem>>
    %dma_wait3A_19 = arith.constant 0 : i32
    %dma_wait3A_20 = arith.constant 0 : i32
    %dma_wait3A_21 = tpu.memref_slice %arg5[%dma_wait3A_19, %dma_wait3A_20] : memref<400x128xf32, #tpu.memory_space<vmem_shared>> -> memref<400x128xf32, #tpu.memory_space<vmem_shared>>
    %dma_wait3A_22 = tpu.memref_slice %arg8[%dma_wait3A_11] : memref<4x!tpu.dma_semaphore, #tpu.memory_space<semaphore_mem>> -> memref<1x!tpu.dma_semaphore, #tpu.memory_space<semaphore_mem>>
    %dma_wait3A_23 = tpu.memref_squeeze %dma_wait3A_22 : memref<1x!tpu.dma_semaphore, #tpu.memory_space<semaphore_mem>> -> memref<!tpu.dma_semaphore, #tpu.memory_space<semaphore_mem>>
    tpu.wait_indirect_dma semaphore(%dma_wait3A_23 : memref<!tpu.dma_semaphore, #tpu.memory_space<semaphore_mem>>) src(%dma_wait3A_21 : memref<400x128xf32, #tpu.memory_space<vmem_shared>>) dst(%dma_wait3A_15 : memref<128x128xf32, #tpu.memory_space<vmem>>)
    %add3A_24 = arith.constant 32 : i32
    %add3A_25 = arith.addi %mul3A_4, %add3A_24 : i32
    %sub3A = arith.constant 1 : i32
    %sub3A_26 = arith.subi %add3A_25, %sub3A : i32
    %mul3A_27 = arith.constant 128 : i32
    %mul3A_28 = arith.muli %sub3A_26, %mul3A_27 : i32
    %dma_start3A = arith.constant 3 : i32
    %dma_start3A_29 = arith.constant 3 : i32
    %dma_start3A_30 = arith.constant 0 : i32
    %dma_start3A_31 = arith.constant 0 : i32
    %dma_start3A_32 = tpu.memref_slice %arg7[%dma_start3A, %dma_start3A_30, %dma_start3A_31] : memref<4x128x128xf32, #tpu.memory_space<vmem>> -> memref<1x128x128xf32, #tpu.memory_space<vmem>>
    %dma_start3A_33 = tpu.memref_squeeze %dma_start3A_32 : memref<1x128x128xf32, #tpu.memory_space<vmem>> -> memref<128x128xf32, #tpu.memory_space<vmem>>
    %dma_start3A_34 = arith.constant 0 : i32
    %dma_start3A_35 = tpu.memref_slice %arg4[%mul3A_28, %dma_start3A_34] : memref<131072x128xf32, #tpu.memory_space<hbm>> -> memref<128x128xf32, #tpu.memory_space<hbm>>
    %dma_start3A_36 = tpu.memref_slice %arg9[%dma_start3A_29] : memref<4x!tpu.dma_semaphore, #tpu.memory_space<semaphore_mem>> -> memref<1x!tpu.dma_semaphore, #tpu.memory_space<semaphore_mem>>
    %dma_start3A_37 = tpu.memref_squeeze %dma_start3A_36 : memref<1x!tpu.dma_semaphore, #tpu.memory_space<semaphore_mem>> -> memref<!tpu.dma_semaphore, #tpu.memory_space<semaphore_mem>>
    %dma_start3A_38 = arith.constant 0 : i32
    %dma_start3A_39 = tpu.memref_slice %arg4[%mul3A_28, %dma_start3A_38] : memref<131072x128xf32, #tpu.memory_space<hbm>> -> memref<128x128xf32, #tpu.memory_space<hbm>>
    %dma_start3A_40 = arith.constant 0 : i32
    %dma_start3A_41 = arith.constant 0 : i32
    %dma_start3A_42 = tpu.memref_slice %arg7[%dma_start3A, %dma_start3A_40, %dma_start3A_41] : memref<4x128x128xf32, #tpu.memory_space<vmem>> -> memref<1x128x128xf32, #tpu.memory_space<vmem>>
    %dma_start3A_43 = tpu.memref_squeeze %dma_start3A_42 : memref<1x128x128xf32, #tpu.memory_space<vmem>> -> memref<128x128xf32, #tpu.memory_space<vmem>>
    tpu.enqueue_dma source(%dma_start3A_43 : memref<128x128xf32, #tpu.memory_space<vmem>>) target(%dma_start3A_39 : memref<128x128xf32, #tpu.memory_space<hbm>>) target_semaphore(%dma_start3A_37 : memref<!tpu.dma_semaphore, #tpu.memory_space<semaphore_mem>>)
    %dma_wait3A_44 = arith.constant 0 : i32
    %dma_wait3A_45 = arith.constant 0 : i32
    %dma_wait3A_46 = arith.constant 0 : i32
    %dma_wait3A_47 = arith.constant 0 : i32
    %dma_wait3A_48 = tpu.memref_slice %arg7[%dma_wait3A_44, %dma_wait3A_46, %dma_wait3A_47] : memref<4x128x128xf32, #tpu.memory_space<vmem>> -> memref<1x128x128xf32, #tpu.memory_space<vmem>>
    %dma_wait3A_49 = tpu.memref_squeeze %dma_wait3A_48 : memref<1x128x128xf32, #tpu.memory_space<vmem>> -> memref<128x128xf32, #tpu.memory_space<vmem>>
    %dma_wait3A_50 = arith.constant 0 : i32
    %dma_wait3A_51 = arith.constant 0 : i32
    %dma_wait3A_52 = tpu.memref_slice %arg4[%dma_wait3A_50, %dma_wait3A_51] : memref<131072x128xf32, #tpu.memory_space<hbm>> -> memref<128x128xf32, #tpu.memory_space<hbm>>
    %dma_wait3A_53 = tpu.memref_slice %arg9[%dma_wait3A_45] : memref<4x!tpu.dma_semaphore, #tpu.memory_space<semaphore_mem>> -> memref<1x!tpu.dma_semaphore, #tpu.memory_space<semaphore_mem>>
    %dma_wait3A_54 = tpu.memref_squeeze %dma_wait3A_53 : memref<1x!tpu.dma_semaphore, #tpu.memory_space<semaphore_mem>> -> memref<!tpu.dma_semaphore, #tpu.memory_space<semaphore_mem>>
    %dma_wait3A_55 = arith.constant 0 : i32
    %dma_wait3A_56 = arith.constant 0 : i32
    %dma_wait3A_57 = tpu.memref_slice %arg4[%dma_wait3A_55, %dma_wait3A_56] : memref<131072x128xf32, #tpu.memory_space<hbm>> -> memref<128x128xf32, #tpu.memory_space<hbm>>
    %dma_wait3A_58 = arith.constant 0 : i32
    %dma_wait3A_59 = arith.constant 0 : i32
    %dma_wait3A_60 = tpu.memref_slice %arg7[%dma_wait3A_44, %dma_wait3A_58, %dma_wait3A_59] : memref<4x128x128xf32, #tpu.memory_space<vmem>> -> memref<1x128x128xf32, #tpu.memory_space<vmem>>
    %dma_wait3A_61 = tpu.memref_squeeze %dma_wait3A_60 : memref<1x128x128xf32, #tpu.memory_space<vmem>> -> memref<128x128xf32, #tpu.memory_space<vmem>>
    tpu.wait_dma2 semaphore(%dma_wait3A_54 : memref<!tpu.dma_semaphore, #tpu.memory_space<semaphore_mem>>) src(%dma_wait3A_61 : memref<128x128xf32, #tpu.memory_space<vmem>>) dst(%dma_wait3A_57 : memref<128x128xf32, #tpu.memory_space<hbm>>)
    %dma_wait3A_62 = arith.constant 1 : i32
    %dma_wait3A_63 = arith.constant 1 : i32
    %dma_wait3A_64 = arith.constant 0 : i32
    %dma_wait3A_65 = arith.constant 0 : i32
    %dma_wait3A_66 = tpu.memref_slice %arg7[%dma_wait3A_62, %dma_wait3A_64, %dma_wait3A_65] : memref<4x128x128xf32, #tpu.memory_space<vmem>> -> memref<1x128x128xf32, #tpu.memory_space<vmem>>
    %dma_wait3A_67 = tpu.memref_squeeze %dma_wait3A_66 : memref<1x128x128xf32, #tpu.memory_space<vmem>> -> memref<128x128xf32, #tpu.memory_space<vmem>>
    %dma_wait3A_68 = arith.constant 0 : i32
    %dma_wait3A_69 = arith.constant 0 : i32
    %dma_wait3A_70 = tpu.memref_slice %arg4[%dma_wait3A_68, %dma_wait3A_69] : memref<131072x128xf32, #tpu.memory_space<hbm>> -> memref<128x128xf32, #tpu.memory_space<hbm>>
    %dma_wait3A_71 = tpu.memref_slice %arg9[%dma_wait3A_63] : memref<4x!tpu.dma_semaphore, #tpu.memory_space<semaphore_mem>> -> memref<1x!tpu.dma_semaphore, #tpu.memory_space<semaphore_mem>>
    %dma_wait3A_72 = tpu.memref_squeeze %dma_wait3A_71 : memref<1x!tpu.dma_semaphore, #tpu.memory_space<semaphore_mem>> -> memref<!tpu.dma_semaphore, #tpu.memory_space<semaphore_mem>>
    %dma_wait3A_73 = arith.constant 0 : i32
    %dma_wait3A_74 = arith.constant 0 : i32
    %dma_wait3A_75 = tpu.memref_slice %arg4[%dma_wait3A_73, %dma_wait3A_74] : memref<131072x128xf32, #tpu.memory_space<hbm>> -> memref<128x128xf32, #tpu.memory_space<hbm>>
    %dma_wait3A_76 = arith.constant 0 : i32
    %dma_wait3A_77 = arith.constant 0 : i32
    %dma_wait3A_78 = tpu.memref_slice %arg7[%dma_wait3A_62, %dma_wait3A_76, %dma_wait3A_77] : memref<4x128x128xf32, #tpu.memory_space<vmem>> -> memref<1x128x128xf32, #tpu.memory_space<vmem>>
    %dma_wait3A_79 = tpu.memref_squeeze %dma_wait3A_78 : memref<1x128x128xf32, #tpu.memory_space<vmem>> -> memref<128x128xf32, #tpu.memory_space<vmem>>
    tpu.wait_dma2 semaphore(%dma_wait3A_72 : memref<!tpu.dma_semaphore, #tpu.memory_space<semaphore_mem>>) src(%dma_wait3A_79 : memref<128x128xf32, #tpu.memory_space<vmem>>) dst(%dma_wait3A_75 : memref<128x128xf32, #tpu.memory_space<hbm>>)
    %dma_wait3A_80 = arith.constant 2 : i32
    %dma_wait3A_81 = arith.constant 2 : i32
    %dma_wait3A_82 = arith.constant 0 : i32
    %dma_wait3A_83 = arith.constant 0 : i32
    %dma_wait3A_84 = tpu.memref_slice %arg7[%dma_wait3A_80, %dma_wait3A_82, %dma_wait3A_83] : memref<4x128x128xf32, #tpu.memory_space<vmem>> -> memref<1x128x128xf32, #tpu.memory_space<vmem>>
    %dma_wait3A_85 = tpu.memref_squeeze %dma_wait3A_84 : memref<1x128x128xf32, #tpu.memory_space<vmem>> -> memref<128x128xf32, #tpu.memory_space<vmem>>
    %dma_wait3A_86 = arith.constant 0 : i32
    %dma_wait3A_87 = arith.constant 0 : i32
    %dma_wait3A_88 = tpu.memref_slice %arg4[%dma_wait3A_86, %dma_wait3A_87] : memref<131072x128xf32, #tpu.memory_space<hbm>> -> memref<128x128xf32, #tpu.memory_space<hbm>>
    %dma_wait3A_89 = tpu.memref_slice %arg9[%dma_wait3A_81] : memref<4x!tpu.dma_semaphore, #tpu.memory_space<semaphore_mem>> -> memref<1x!tpu.dma_semaphore, #tpu.memory_space<semaphore_mem>>
    %dma_wait3A_90 = tpu.memref_squeeze %dma_wait3A_89 : memref<1x!tpu.dma_semaphore, #tpu.memory_space<semaphore_mem>> -> memref<!tpu.dma_semaphore, #tpu.memory_space<semaphore_mem>>
    %dma_wait3A_91 = arith.constant 0 : i32
    %dma_wait3A_92 = arith.constant 0 : i32
    %dma_wait3A_93 = tpu.memref_slice %arg4[%dma_wait3A_91, %dma_wait3A_92] : memref<131072x128xf32, #tpu.memory_space<hbm>> -> memref<128x128xf32, #tpu.memory_space<hbm>>
    %dma_wait3A_94 = arith.constant 0 : i32
    %dma_wait3A_95 = arith.constant 0 : i32
    %dma_wait3A_96 = tpu.memref_slice %arg7[%dma_wait3A_80, %dma_wait3A_94, %dma_wait3A_95] : memref<4x128x128xf32, #tpu.memory_space<vmem>> -> memref<1x128x128xf32, #tpu.memory_space<vmem>>
    %dma_wait3A_97 = tpu.memref_squeeze %dma_wait3A_96 : memref<1x128x128xf32, #tpu.memory_space<vmem>> -> memref<128x128xf32, #tpu.memory_space<vmem>>
    tpu.wait_dma2 semaphore(%dma_wait3A_90 : memref<!tpu.dma_semaphore, #tpu.memory_space<semaphore_mem>>) src(%dma_wait3A_97 : memref<128x128xf32, #tpu.memory_space<vmem>>) dst(%dma_wait3A_93 : memref<128x128xf32, #tpu.memory_space<hbm>>)
    %dma_wait3A_98 = arith.constant 3 : i32
    %dma_wait3A_99 = arith.constant 3 : i32
    %dma_wait3A_100 = arith.constant 0 : i32
    %dma_wait3A_101 = arith.constant 0 : i32
    %dma_wait3A_102 = tpu.memref_slice %arg7[%dma_wait3A_98, %dma_wait3A_100, %dma_wait3A_101] : memref<4x128x128xf32, #tpu.memory_space<vmem>> -> memref<1x128x128xf32, #tpu.memory_space<vmem>>
    %dma_wait3A_103 = tpu.memref_squeeze %dma_wait3A_102 : memref<1x128x128xf32, #tpu.memory_space<vmem>> -> memref<128x128xf32, #tpu.memory_space<vmem>>
    %dma_wait3A_104 = arith.constant 0 : i32
    %dma_wait3A_105 = arith.constant 0 : i32
    %dma_wait3A_106 = tpu.memref_slice %arg4[%dma_wait3A_104, %dma_wait3A_105] : memref<131072x128xf32, #tpu.memory_space<hbm>> -> memref<128x128xf32, #tpu.memory_space<hbm>>
    %dma_wait3A_107 = tpu.memref_slice %arg9[%dma_wait3A_99] : memref<4x!tpu.dma_semaphore, #tpu.memory_space<semaphore_mem>> -> memref<1x!tpu.dma_semaphore, #tpu.memory_space<semaphore_mem>>
    %dma_wait3A_108 = tpu.memref_squeeze %dma_wait3A_107 : memref<1x!tpu.dma_semaphore, #tpu.memory_space<semaphore_mem>> -> memref<!tpu.dma_semaphore, #tpu.memory_space<semaphore_mem>>
    %dma_wait3A_109 = arith.constant 0 : i32
    %dma_wait3A_110 = arith.constant 0 : i32
    %dma_wait3A_111 = tpu.memref_slice %arg4[%dma_wait3A_109, %dma_wait3A_110] : memref<131072x128xf32, #tpu.memory_space<hbm>> -> memref<128x128xf32, #tpu.memory_space<hbm>>
    %dma_wait3A_112 = arith.constant 0 : i32
    %dma_wait3A_113 = arith.constant 0 : i32
    %dma_wait3A_114 = tpu.memref_slice %arg7[%dma_wait3A_98, %dma_wait3A_112, %dma_wait3A_113] : memref<4x128x128xf32, #tpu.memory_space<vmem>> -> memref<1x128x128xf32, #tpu.memory_space<vmem>>
    %dma_wait3A_115 = tpu.memref_squeeze %dma_wait3A_114 : memref<1x128x128xf32, #tpu.memory_space<vmem>> -> memref<128x128xf32, #tpu.memory_space<vmem>>
    tpu.wait_dma2 semaphore(%dma_wait3A_108 : memref<!tpu.dma_semaphore, #tpu.memory_space<semaphore_mem>>) src(%dma_wait3A_115 : memref<128x128xf32, #tpu.memory_space<vmem>>) dst(%dma_wait3A_111 : memref<128x128xf32, #tpu.memory_space<hbm>>)
    return
  }
}

module attributes {stable_mosaic.version = 14 : i64} {
  func.func @_pidx_body(%arg0: memref<2x512x256xi32, #tpu.memory_space<vmem>>, %arg1: memref<512x256xi32, #tpu.memory_space<vmem>>) attributes {dimension_semantics = [], scalar_prefetch = 0 : i64, scratch_operands = 0 : i64, tpu.core_type = #tpu.core_type<tc>} {
    %get3A = arith.constant 0 : index
    %get3A_0 = arith.constant 0 : index
    %get3A_1 = arith.constant 0 : index
    %get3A_2 = vector.load %arg0[%get3A, %get3A_0, %get3A_1] : memref<2x512x256xi32, #tpu.memory_space<vmem>>, vector<1x512x256xi32>
    %get3A_3 = vector.shape_cast %get3A_2 : vector<1x512x256xi32> to vector<512x256xi32>
    %mul3A = arith.constant 20 : i32
    %mul3A_4 = vector.broadcast %mul3A : i32 to vector<512x256xi32>
    %mul3A_5 = arith.muli %get3A_3, %mul3A_4 : vector<512x256xi32>
    %get3A_6 = arith.constant 1 : index
    %get3A_7 = arith.constant 0 : index
    %get3A_8 = arith.constant 0 : index
    %get3A_9 = vector.load %arg0[%get3A_6, %get3A_7, %get3A_8] : memref<2x512x256xi32, #tpu.memory_space<vmem>>, vector<1x512x256xi32>
    %get3A_10 = vector.shape_cast %get3A_9 : vector<1x512x256xi32> to vector<512x256xi32>
    %add3A = arith.addi %mul3A_5, %get3A_10 : vector<512x256xi32>
    %swap3A = arith.constant 0 : index
    %swap3A_11 = arith.constant 0 : index
    %swap3A_12 = vector.load %arg1[%swap3A, %swap3A_11] : memref<512x256xi32, #tpu.memory_space<vmem>>, vector<512x256xi32>
    tpu.vector_store %arg1[%swap3A, %swap3A_11], %add3A {strides = array<i32>} : memref<512x256xi32, #tpu.memory_space<vmem>>, vector<512x256xi32>,
    return
  }
}

module attributes {stable_mosaic.version = 14 : i64} {
  func.func @_pair_table_body(%arg0: memref<64x20xf32, #tpu.memory_space<vmem>>, %arg1: memref<1x64xf32, #tpu.memory_space<vmem>>, %arg2: memref<400x128xf32, #tpu.memory_space<vmem>>) attributes {dimension_semantics = [], scalar_prefetch = 0 : i64, scratch_operands = 0 : i64, tpu.core_type = #tpu.core_type<tc>} {
    %iota3A = tpu.iota {dimensions = array<i32: 0>} : vector<400x20xi32>
    %iota3A_0 = tpu.iota {dimensions = array<i32: 1>} : vector<400x20xi32>
    %jit3A = arith.constant 20 : i32
    %div3A = vector.broadcast %jit3A : i32 to vector<400x20xi32>
    %div3A_1 = arith.divsi %iota3A, %div3A : vector<400x20xi32>
    %sign3A = arith.constant 0 : i32
    %sign3A_2 = vector.broadcast %sign3A : i32 to vector<400x20xi32>
    %sign3A_3 = arith.cmpi sgt, %iota3A, %sign3A_2 : vector<400x20xi32>
    %sign3A_4 = arith.extui %sign3A_3 : vector<400x20xi1> to vector<400x20xi32>
    %sign3A_5 = arith.constant 0 : i32
    %sign3A_6 = vector.broadcast %sign3A_5 : i32 to vector<400x20xi32>
    %sign3A_7 = arith.cmpi slt, %iota3A, %sign3A_6 : vector<400x20xi32>
    %sign3A_8 = arith.extui %sign3A_7 : vector<400x20xi1> to vector<400x20xi32>
    %sign3A_9 = arith.subi %sign3A_4, %sign3A_8 : vector<400x20xi32>
    %sign3A_10 = arith.constant 0 : i32
    %sign3A_11 = arith.cmpi sgt, %jit3A, %sign3A_10 : i32
    %sign3A_12 = arith.extui %sign3A_11 : i1 to i32
    %sign3A_13 = arith.constant 0 : i32
    %sign3A_14 = arith.cmpi slt, %jit3A, %sign3A_13 : i32
    %sign3A_15 = arith.extui %sign3A_14 : i1 to i32
    %sign3A_16 = arith.subi %sign3A_12, %sign3A_15 : i32
    %ne3A = vector.broadcast %sign3A_16 : i32 to vector<400x20xi32>
    %ne3A_17 = arith.cmpi ne, %sign3A_9, %ne3A : vector<400x20xi32>
    %rem3A = vector.broadcast %jit3A : i32 to vector<400x20xi32>
    %rem3A_18 = arith.remsi %iota3A, %rem3A : vector<400x20xi32>
    %ne3A_19 = arith.constant 0 : i32
    %ne3A_20 = vector.broadcast %ne3A_19 : i32 to vector<400x20xi32>
    %ne3A_21 = arith.cmpi ne, %rem3A_18, %ne3A_20 : vector<400x20xi32>
    %and3A = arith.andi %ne3A_17, %ne3A_21 : vector<400x20xi1>
    %sub3A = arith.constant 1 : i32
    %sub3A_22 = vector.broadcast %sub3A : i32 to vector<400x20xi32>
    %sub3A_23 = arith.subi %div3A_1, %sub3A_22 : vector<400x20xi32>
    %select_n3A = arith.select %and3A, %sub3A_23, %div3A_1 : vector<400x20xi1>, vector<400x20xi32>
    %eq3A = arith.cmpi eq, %iota3A_0, %select_n3A : vector<400x20xi32>
    %convert_element_type3A = arith.extui %eq3A : vector<400x20xi1> to vector<400x20xi32>
    %convert_element_type3A_24 = arith.sitofp %convert_element_type3A : vector<400x20xi32> to vector<400x20xf32>
    %jit3A_25 = arith.constant 20 : i32
    %eq3A_26 = arith.constant 0 : i32
    %eq3A_27 = arith.cmpi eq, %jit3A_25, %eq3A_26 : i32
    %jit3A_28 = arith.constant 1 : i32
    %select_n3A_29 = arith.select %eq3A_27, %jit3A_28, %jit3A_25 : i32
    %rem3A_30 = vector.broadcast %select_n3A_29 : i32 to vector<400x20xi32>
    %rem3A_31 = arith.remsi %iota3A, %rem3A_30 : vector<400x20xi32>
    %ne3A_32 = arith.constant 0 : i32
    %ne3A_33 = vector.broadcast %ne3A_32 : i32 to vector<400x20xi32>
    %ne3A_34 = arith.cmpi ne, %rem3A_31, %ne3A_33 : vector<400x20xi32>
    %lt3A = arith.constant 0 : i32
    %lt3A_35 = vector.broadcast %lt3A : i32 to vector<400x20xi32>
    %lt3A_36 = arith.cmpi slt, %rem3A_31, %lt3A_35 : vector<400x20xi32>
    %lt3A_37 = arith.constant 0 : i32
    %lt3A_38 = arith.cmpi slt, %select_n3A_29, %lt3A_37 : i32
    %ne3A_39 = vector.broadcast %lt3A_38 : i1 to vector<400x20xi1>
    %ne3A_40 = vector.broadcast %ne3A_39 : vector<400x20xi1> to vector<400x20xi1>
    %ne3A_41 = arith.xori %lt3A_36, %ne3A_40 : vector<400x20xi1>
    %and3A_42 = arith.andi %ne3A_41, %ne3A_34 : vector<400x20xi1>
    %add3A = vector.broadcast %select_n3A_29 : i32 to vector<400x20xi32>
    %add3A_43 = arith.addi %rem3A_31, %add3A : vector<400x20xi32>
    %select_n3A_44 = arith.select %and3A_42, %add3A_43, %rem3A_31 : vector<400x20xi1>, vector<400x20xi32>
    %eq3A_45 = arith.cmpi eq, %iota3A_0, %select_n3A_44 : vector<400x20xi32>
    %convert_element_type3A_46 = arith.extui %eq3A_45 : vector<400x20xi1> to vector<400x20xi32>
    %convert_element_type3A_47 = arith.sitofp %convert_element_type3A_46 : vector<400x20xi32> to vector<400x20xf32>
    %get3A = arith.constant 0 : index
    %get3A_48 = arith.constant 0 : index
    %get3A_49 = vector.load %arg0[%get3A, %get3A_48] : memref<64x20xf32, #tpu.memory_space<vmem>>, vector<64x20xf32>
    %get3A_50 = arith.constant 0 : index
    %get3A_51 = arith.constant 0 : index
    %get3A_52 = vector.load %arg1[%get3A_50, %get3A_51] : memref<1x64xf32, #tpu.memory_space<vmem>>, vector<1x64xf32>
    %dot_general3A = arith.constant dense<0.000000e+00> : vector<400x64xf32>
    %dot_general3A_53 = tpu.matmul %convert_element_type3A_24, %get3A_49, %dot_general3A {dimension_numbers = #tpu.dot_dimension_numbers<[1], [1], [0], [0], [0, 0, 1, 0], [], []>, transpose_lhs_hint = false} : vector<400x20xf32>, vector<64x20xf32>, vector<400x64xf32> -> vector<400x64xf32>
    %add3A_54 = vector.broadcast %get3A_52 : vector<1x64xf32> to vector<400x64xf32>
    %add3A_55 = arith.addf %dot_general3A_53, %add3A_54 : vector<400x64xf32>
    %dot_general3A_56 = arith.constant dense<0.000000e+00> : vector<400x64xf32>
    %dot_general3A_57 = tpu.matmul %convert_element_type3A_47, %get3A_49, %dot_general3A_56 {dimension_numbers = #tpu.dot_dimension_numbers<[1], [1], [0], [0], [0, 0, 1, 0], [], []>, transpose_lhs_hint = false} : vector<400x20xf32>, vector<64x20xf32>, vector<400x64xf32> -> vector<400x64xf32>
    %add3A_58 = vector.broadcast %get3A_52 : vector<1x64xf32> to vector<400x64xf32>
    %add3A_59 = arith.addf %dot_general3A_57, %add3A_58 : vector<400x64xf32>
    %concatenate3A = tpu.concatenate %add3A_55, %add3A_59 in 1 : vector<400x64xf32>, vector<400x64xf32> -> vector<400x128xf32>
    %swap3A = arith.constant 0 : index
    %swap3A_60 = arith.constant 0 : index
    %swap3A_61 = vector.load %arg2[%swap3A, %swap3A_60] : memref<400x128xf32, #tpu.memory_space<vmem>>, vector<400x128xf32>
    tpu.vector_store %arg2[%swap3A, %swap3A_60], %concatenate3A {strides = array<i32>} : memref<400x128xf32, #tpu.memory_space<vmem>>, vector<400x128xf32>,
    return
  }
}

</mosaic_0001>

<sc_bundles>
// kernel: kernel.5.cloned.1.call-start
scs
__scs_entry_jumppad:
0x0: {  	(pc) =	sbr.rel $0x88, $3  }
0x1: {  	(tag) =	ssettag $0x0;
	lr =	simm.s32 $0x1  }
0x2: {  	[smem:$0x3F9E] =	sst lr;
	_ =	strace $0xD0000000  }
0x3: {  	_ = 	snop  }
0x4: {  	_ = 	snop  }
0x5: {  	_ = 	snop  }
0x6: {  	_ = 	snop  }
0x7: {  	_ = 	snop  }
__scs_overlays_trampoline_lowered:
0x8: {  	[smem:$0x3FAD] =	sst s0  }
0x9: {  	[smem:$0x3FAE] =	sst s1  }
0xa: {  	[smem:$0x3FAF] =	sst s2  }
0xb: {  	[smem:$0x3FB0] =	sst s3  }
0xc: {  	[smem:$0x3FB1] =	sst s4  }
0xd: {  	[smem:$0x3FB2] =	sst s5  }
0xe: {  	[smem:$0x3FB3] =	sst s6  }
0xf: {  	[smem:$0x3FB4] =	sst s7  }
0x10: {  	[smem:$0x3FB5] =	sst s8  }
0x11: {  	[smem:$0x3FB6] =	sst s9;
	s0 =	simm.s32 @!p0 $0x0  }
0x12: {  	s1 =	sld [smem:$0x3F9C];
	s0 =	simm.s32 @p0 $0x1  }
0x13: {  	[smem:$0x3FB7] =	sst s0;
	s0 =	simm.s32 @!p1 $0x0  }
0x14: {  	s2 =	sld [smem:$0x3F9B];
	s0 =	simm.s32 @p1 $0x1  }
0x15: {  	[smem:$0x3FB8] =	sst s0;
	s0 =	simm.s32 @!p2 $0x0  }
0x16: {  	s3 =	sld [smem:$0x3FDB];
	s0 =	simm.s32 @p2 $0x1  }
0x17: {  	s4 =	simm.s32 $0x1BF5;
	[smem:$0x3FBA] =	sst s0  }
0x18: {  	s0 =	sld [smem:$0x3F9D];
	_ =	swait.ge [sflag:s4], $0x0  }
0x19: {  	s7 =	sld [smem:$0x3F9E]  }
0x1a: {  	s8 =	sadd.s32 $0xFFFFE003, lr  }
0x1b: {  	s9 =	sadd.s32 $0xFFFFFEF7, lr;
	s5 =	simm.s32 $0xFFFFFFFF;
	p2 =	slt.u32 s8, $0xFFFFF086  }
0x1c: {  	p1 =	slt.u32 s9, $0xF7A;
	s5 =	simm.s32 @!p2 $0x0  }
0x1d: {  	s5 =	simm.s32 @p1 $0x1;
	p0 =	seq.s32 s7, s2  }
0x1e: {  	s7 =	smul.u32 @!p0 $0xF7A, s2;
	p2 =	seq.s32 @!p0 s5, $0x0  }
0x1f: {  	s9 =	smul.u32 $0xF7A, s1;
	s8 =	simm.s32 @!p0 $0x1BF5;
	p2 =	por !p2, p0  }
0x20: {  	[sflag:s8] =	ssyncset.s32 @!p0 $0xFFFFF086;
	s6 =	sadd.s32 @!p0 s3, s7;
	s7 =	simm.s32 @!p0 $0x108  }
0x21: {  	s3 =	sadd.s32 s3, s9;
	s6 =	sadd.s32 @!p0 $0x88, s6;
	s7 =	simm.s32 @p2 $0x1082  }
0x22: {  	[simem:s7], [sflag:s8] =	dma.local @!p0 [hbm:s6], $0xF7A  }
0x23: {  	s9 =	sor.u32 $0xD0000000, s2;
	s6 =	simm.s32 $0x108;
	_ =	swait.ge @!p0 [sflag:s8], $0x0  }
0x24: {  	s3 =	sadd.s32 $0x88, s3;
	s6 =	simm.s32 @!p1 $0x1082;
	[sflag:s4] =	ssyncset.s32 $0xFFFFF086  }
0x25: {  	[simem:s6], [sflag:s4] =	dma.local [hbm:s3], $0xF7A  }
0x26: {  	[smem:$0x3F9E] =	sst s1;
	(tag) =	ssettag s2;
	_ =	strace s9  }
0x27: {  	s1 =	sld [smem:$0x3FAE]  }
0x28: {  	s2 =	sld [smem:$0x3FAF]  }
0x29: {  	s4 =	sld [smem:$0x3FB1]  }
0x2a: {  	p0 =	seq.s32 s5, $0x0;
	s5 =	sld [smem:$0x3FB2]  }
0x2b: {  	s6 =	sld [smem:$0x3FB3]  }
0x2c: {  	s7 =	sld [smem:$0x3FB4]  }
0x2d: {  	s3 =	simm.s32 $0x108;
	s8 =	sld [smem:$0x3FB5]  }
0x2e: {  	s3 =	simm.s32 @!p0 $0x1082;
	s9 =	sld [smem:$0x3FB6]  }
0x2f: {  	lr =	sadd.s32 s0, s3;
	s0 =	sld [smem:$0x3FAD]  }
0x30: {  	s3 =	sld [smem:$0x3FB0]  }
0x31: {  	[smem:$0x3FB9] =	sst s10  }
0x32: {  	s10 =	sld [smem:$0x3FB7];
	_ =	sdelay $0x3  }
0x33: {  	p0 =	seq.s32 s10, $0x1;
	s10 =	sld [smem:$0x3FB9];
	_ =	sdelay $0x3  }
0x34: {  	[smem:$0x3FB9] =	sst s10  }
0x35: {  	s10 =	sld [smem:$0x3FB8];
	_ =	sdelay $0x3  }
0x36: {  	p1 =	seq.s32 s10, $0x1;
	s10 =	sld [smem:$0x3FB9];
	_ =	sdelay $0x3  }
0x37: {  	[smem:$0x3FB9] =	sst s10  }
0x38: {  	s10 =	sld [smem:$0x3FBA]  }
0x39: {  	_ = 	snop;
	(pc) =	sbr.ind lr, $3  }
0x3a: {  	_ = 	snop  }
0x3b: {  	_ = 	snop  }
0x3c: {  	p2 =	seq.s32 s10, $0x1;
	s10 =	sld [smem:$0x3FB9]  }
0x3d: {  	_ =	shalt  }
0x3e: {  	_ =	shalt  }
0x3f: {  	_ =	shalt  }
0x40: {  	_ =	shalt  }
0x41: {  	_ =	shalt  }
0x42: {  	_ =	shalt  }
0x43: {  	_ =	shalt  }
0x44: {  	_ =	shalt  }
0x45: {  	_ =	shalt  }
0x46: {  	_ =	shalt  }
0x47: {  	_ =	shalt  }
0x48: {  	_ =	shalt  }
0x49: {  	_ =	shalt  }
0x4a: {  	_ =	shalt  }
0x4b: {  	_ =	shalt  }
0x4c: {  	_ =	shalt  }
0x4d: {  	_ =	shalt  }
0x4e: {  	_ =	shalt  }
0x4f: {  	_ =	shalt  }
0x50: {  	_ =	shalt  }
0x51: {  	_ =	shalt  }
0x52: {  	_ =	shalt  }
0x53: {  	_ =	shalt  }
0x54: {  	_ =	shalt  }
0x55: {  	_ =	shalt  }
0x56: {  	_ =	shalt  }
0x57: {  	_ =	shalt  }
0x58: {  	_ =	shalt  }
0x59: {  	_ =	shalt  }
0x5a: {  	_ =	shalt  }
0x5b: {  	_ =	shalt  }
0x5c: {  	_ =	shalt  }
0x5d: {  	_ =	shalt  }
0x5e: {  	_ =	shalt  }
0x5f: {  	_ =	shalt  }
0x60: {  	_ =	shalt  }
0x61: {  	_ =	shalt  }
0x62: {  	_ =	shalt  }
0x63: {  	_ =	shalt  }
0x64: {  	_ =	shalt  }
0x65: {  	_ =	shalt  }
0x66: {  	_ =	shalt  }
0x67: {  	_ =	shalt  }
0x68: {  	_ =	shalt  }
0x69: {  	_ =	shalt  }
0x6a: {  	_ =	shalt  }
0x6b: {  	_ =	shalt  }
0x6c: {  	_ =	shalt  }
0x6d: {  	_ =	shalt  }
0x6e: {  	_ =	shalt  }
0x6f: {  	_ =	shalt  }
0x70: {  	_ =	shalt  }
0x71: {  	_ =	shalt  }
0x72: {  	_ =	shalt  }
0x73: {  	_ =	shalt  }
0x74: {  	_ =	shalt  }
0x75: {  	_ =	shalt  }
0x76: {  	_ =	shalt  }
0x77: {  	_ =	shalt  }
0x78: {  	_ =	shalt  }
0x79: {  	_ =	shalt  }
0x7a: {  	_ =	shalt  }
0x7b: {  	_ =	shalt  }
0x7c: {  	_ =	shalt  }
0x7d: {  	_ =	shalt  }
0x7e: {  	_ =	shalt  }
0x7f: {  	_ =	shalt  }
0x80: {  	_ =	shalt  }
0x81: {  	_ =	shalt  }
0x82: {  	_ =	shalt  }
0x83: {  	_ =	shalt  }
0x84: {  	_ =	shalt  }
0x85: {  	_ =	shalt  }
0x86: {  	_ =	shalt  }
0x87: {  	_ =	shalt  }
.Lfunc_end0:
.L_simem_size_0:
called_computation.1_lowered:
.L_overlay_start_0:
0x88: {  	s2 =	sld [smem:$0x3FD9]  }
0x89: {  	s3 =	sld [smem:$0x3FFE];
	_ =	sdelay $0x1  }
0x8a: {  	s1 =	srdreg.scid  }
0x8b: {  	s0 =	sand.u32 $0x1, s1  }
0x8c: {  	s17 =	sshll.u32 s0, $0xA;
	s2 =	sadd.s32 s3, s2  }
0x8d: {  	s2 =	sadd.s32 s2, s17  }
0x8e: {  	[smem:$0x3FC5] =	sst s2  }
0x8f: {  	_ = 	snop  }
0x90: {  	s2 =	sld [smem:$0x3FD0];
	(tm) =	ssettm $0x1  }
0x91: {  	s18 =	sld [smem:$0x3FFB];
	_ =	sdelay $0x3  }
0x92: {  	_ =	strace s18  }
0x93: {  	s3 =	sld [smem:$0x3FFC];
	_ =	sdelay $0x3  }
0x94: {  	_ =	strace s3  }
0x95: {  	s3 =	sld [smem:$0x3FFD];
	_ =	sdelay $0x3  }
0x96: {  	_ =	strace s3  }
0x97: {  	_ =	strace $0x8FFFFFFF  }
0x98: {  	s19 =	sld [smem:$0x3FDB];
	_ =	sdelay $0x1  }
0x99: {  	s4 =	simm.s32 $_scs_section_size  }
0x9a: {  	s5 =	simm.s32 $_size__tile_overlayer_lowered;
	s6 =	simm.s32 $_tile_overlayer_lowered  }
0x9b: {  	s22 =	simm.s32 $0x1BFF;
	s21 =	sshll.u32 s6, $0x1;
	s3 =	sadd.s32 s4, s19  }
0x9c: {  	s7 =	simm.s32 $0x0;
	s20 =	sshll.u32 s5, $0x1;
	s5 =	sadd.s32 s21, s3  }
0x9d: {  	[timem:s7], [sflag:s22] =	dma.local [hbm:s5], s20  }
0x9e: {  	_ =	swait.ge [sflag:s22], s20  }
0x9f: {  	s4 =	ssub.s32 $0x0, s20;
	[sflag:s22] =	ssyncset.done $0x0  }
0xa0: {  	[sflag:s22] =	ssyncadd.s32 s4;
	_ =	sdelay $0x1  }
0xa1: {  	s23 =	simm.s32 $0x1B8B  }
0xa2: {  	_ =	swait.ge [sflag:s23], $0x1  }
0xa3: {  	[sflag:s23] =	ssyncset.done $0x0  }
0xa4: {  	s25 =	simm.s32 $0x1B8E;
	s24 =	sld [smem:$0x3FFE];
	[sflag:s23] =	ssyncadd.s32 $0xFFFFFFFF  }
0xa5: {  	s26 =	simm.s32 $execute0_lowered;
	[smem:$0x3FD2] =	sst s25  }
0xa6: {  	s5 =	sshll.u32 s26, $0x1;
	_ =	strace $0x80000046;
	[dreg:$0x1] =	wrdreg $0xFFFFFFFF  }
0xa7: {  	s28 =	simm.s32 $_size_execute0_lowered;
	s3 =	sadd.s32 s3, s5;
	[dreg:$0x0] =	wrdreg $0x0  }
0xa8: {  	s5 =	sshll.u32 s28, $0x1;
	[dreg:$0x2] =	wrdreg s3  }
0xa9: {  	[dreg:$0x3] =	wrdreg s5  }
0xaa: {  	[dreg:$0x4] =	wrdreg $0xC0  }
0xab: {  	_ =	task [dreg:s7], $0x5FFFF  }
0xac: {  	[dreg:$0x1] =	wrdreg $0xFFFFFFFF  }
0xad: {  	[dreg:$0x0] =	wrdreg $0x60  }
0xae: {  	[dreg:$0x2] =	wrdreg s24  }
0xaf: {  	[dreg:$0x3] =	wrdreg s2  }
0xb0: {  	[dreg:$0x4] =	wrdreg $0x0  }
0xb1: {  	[dreg:$0x5] =	wrdreg $0x9  }
0xb2: {  	_ =	task.clear_ibuf [dreg:s7], $0x6FFFF;
	_ =	strace $0x90000046  }
0xb3: {  	s29 =	simm.s32 $0x9;
	_ =	strace $0x80000048  }
0xb4: {  	_ =	swait.ge [sflag:s29], $0x1  }
0xb5: {  	[sflag:s29] =	ssyncadd.s32 $0xFFFFFFFF  }
0xb6: {  	_ =	strace $0x90000048  }
0xb7: {  	_ =	sfence  }
0xb8: {  	s30 =	sld [smem:$0x0];
	_ =	sdelay $0x2  }
0xb9: {  	s31 =	sshll.u32 s1, $0xD;
	s1 =	sshrl.u32 s1, $0x2  }
0xba: {  	s3 =	sand.u32 $0x4000, s31;
	s1 =	sadd.s32 s1, s30  }
0xbb: {  	s0 =	sor.u32 s3, s0;
	s1 =	sshll.u32 s1, $0x11  }
0xbc: {  	s0 =	sor.u32 s1, s0  }
0xbd: {  	s0 =	sadd.s32 $0x8F2B, s0  }
0xbe: {  	[sflag:s0] =	ssyncadd.remote.s32 $0x1  }
0xbf: {  	_ =	sfence.sel $0xFFFF  }
0xc0: {  	[dreg:$0x0] =	wrdreg $0xFFFFFFFF;
	(pc) =	sbr.abs _section_cstart, $3  }
0xc1: {  	[dreg:$0x1] =	wrdreg $0xFFFFFFFF  }
0xc2: {  	_ =	task.clear_ibuf [dreg:s7], $0x2FFFF;
	_ =	strace $0x9FFFFFFF  }
0xc3: {  	(tm) =	ssettm $0x7FFFFFFF  }
tec
execute0_lowered:
.L_overlay_start_1:
0x0: {  	(tag) =	ssettag $0x1  }
0x1: {  	s1 =	rddreg [dreg:$0x0];
	s2 =	srdreg.scid  }
0x2: {  	s0 =	rddreg [dreg:$0x1];
	s5 =	stileid.u32;
	s3 =	simm.s32 $0x0  }
0x3: {  	s15 =	simm.s32 $0x80;
	s16 =	simm.s32 $0x5C80;
	s31 =	simm.s32 $0x1C80  }
0x4: {  	s17 =	simm.s32 $0x1;
	s18 =	simm.s32 $0x9C80;
	s19 =	simm.s32 $0x2  }
0x5: {  	s20 =	simm.s32 $0xDC80;
	s21 =	simm.s32 $0x3;
	s28 =	simm.s32 $0x0  }
0x6: {  	s6 =	sand.u32 $0x1, s2;
	s2 =	rddreg [dreg:$0x2];
	s4 =	sshll.u32 s5, $0x6  }
0x7: {  	[smem:$0x7FF] =	sst s3;
	s25 =	sshll.u32 s5, $0x14;
	p0 =	sne.s32 s5, $0x0  }
0x8: {  	s7 =	sshll.u32 s6, $0x5;
	s8 =	ssub.s32 $0x2, s6;
	_ =	strace $0x80000047  }
0x9: {  	s6 =	sshll.u32 s6, $0x13;
	[dreg:$0x4] =	wrdreg s31;
	s4 =	sor.u32 s7, s4  }
0xa: {  	s9 =	sshrl.u32 s8, $0x1;
	s6 =	sor.u32 s6, s25;
	s25 =	simm.s32 $0x7  }
0xb: {  	s7 =	sshll.u32 s4, $0x4;
	s23 =	ssub.s32 s8, s9;
	s24 =	sshll.u32 s4, $0xB  }
0xc: {  	s29 =	sor.u32 $0x8000, s6;
	s7 =	sadd.s32 s7, s1;
	s1 =	sadd.s32 $0x4C00, s1  }
0xd: {  	s8 =	sadd.s32 s24, s0;
	[dreg:$0x5] =	wrdreg s1;
	s7 =	sadd.s32 $0xC00, s7  }
0xe: {  	s30 =	sor.u32 $0x4000, s6;
	s26 =	sadd.s32 $0xF800, s8;
	[dreg:$0x6] =	wrdreg s7  }
0xf: {  	s9 =	sadd.s32 $0xFFFFC000, s6;
	s1 =	smax.u32 s23, $0x1;
	[dreg:$0x7] =	wrdreg s26  }
0x10: {  	s24 =	simm.s32 $0x6;
	[dreg:$0x8] =	wrdreg s1;
	s1 =	sshrl.u32 s29, $0x3  }
0x11: {  	s7 =	sshrl.u32 s30, $0x3;
	s6 =	sadd.s32 s1, s0;
	s1 =	sshrl.u32 @!p0 s2, $0x3  }
0x12: {  	s26 =	simm.s32 $0x8;
	s11 =	sadd.s32 s7, s0;
	[dreg:$0x9] =	wrdreg s1  }
.LBB2_1:
0x13: {  	s5 =	rddreg [dreg:$0x5]  }
0x14: {  	s1 =	simm.s32 @!p0 $0x1C09;
	s7 =	rddreg [dreg:$0x9]  }
0x15: {  	[spmem:s7], [sflag:s1] =	dma.local @!p0 [hbm:s5], $0x1900  }
0x16: {  	s1 =	simm.s32 @!p0 $0x9  }
0x17: {  	_ =	swait.ge @!p0 [sflag:s1], $0x1900  }
0x18: {  	[sflag:s1] =	ssyncset.done @!p0 $0x0  }
0x19: {  	[sflag:s1] =	ssyncadd.s32 @!p0 $0xFFFFE700  }
0x1a: {  	[bflag:$0x0] =	sbarrier.arrive $0xFFFF  }
0x1b: {  	s8 =	simm.s32 $0x9;
	s7 =	simm.s32 $0xC80;
	s5 =	rddreg [dreg:$0x6]  }
0x1c: {  	[tilespmem:s7], [sflag:$0x9] =	stream.linear.gather [hbm4b:s5+s3], $0x1000, $0x38;
	[tilespmem:$0x11C80] =	vst v63  }
0x1d: {  	_ =	swait.ge [sflag:s8], $0x1000  }
0x1e: {  	p1 =	por $0x0, $0x0;
	[sflag:s8] =	ssyncset.done $0x0  }
0x1f: {  	s1 =	simm.s32 @p1 $0x5;
	[sflag:s8] =	ssyncadd.s32 $0xFFFFF000  }
0x20: {  	s10 =	simm.s32 @p1 $0xC80;
	_ =	swait.ge @p1 [sflag:s1], $0x4000  }
0x21: {  	s13 =	simm.s32 @p1 $0x80;
	s5 =	simm.s32 $0x1;
	[sflag:s1] =	ssyncset.done @p1 $0x0  }
0x22: {  	s7 =	simm.s32 @p1 $0x1C80;
	[sflag:s1] =	ssyncadd.s32 @p1 $0xFFFFC000;
	s1 =	simm.s32 @p1 $0x4  }
0x23: {  	[tilespmem:s7], [sflag:$0x1] =	stream.indirect.gather @p1 [spmem:s2], $0x80, s10, s13, $0xb8;
	[tilespmem:$0x11C80] =	vst v63  }
0x24: {  	s5 =	simm.s32 @!p1 $0x1;
	s7 =	sshrl.u32 @p1 s9, $0x3;
	_ =	swait.ge @p1 [sflag:s1], $0x4000  }
0x25: {  	s10 =	simm.s32 @p1 $0xDC80;
	s13 =	simm.s32 @p1 $0x0;
	[sflag:s1] =	ssyncset.done @p1 $0x0  }
0x26: {  	s7 =	sadd.s32 @p1 s0, s7;
	[sflag:s1] =	ssyncadd.s32 @p1 $0xFFFFC000;
	s1 =	simm.s32 @p1 $0x6  }
0x27: {  	[hbm4b:s7+s13] =	stream.linear.scatter @p1 [tilespmem:s10], [sflag:$0x8], $0x4000, $0x38;
	[tilespmem:$0x11C80] =	vst v63  }
0x28: {  	s29 =	simm.s32 @!p1 $0xC80;
	s12 =	sadd.s32 s4, s5;
	_ =	swait.ge @p1 [sflag:s1], $0x4000  }
0x29: {  	s10 =	sshll.u32 s5, $0x7;
	s13 =	simm.s32 @!p1 $0x80;
	[sflag:s1] =	ssyncset.done @p1 $0x0  }
0x2a: {  	s7 =	sand.u32 $0x3FFFFF80, s10;
	s10 =	simm.s32 @!p1 $0x1C80;
	[sflag:s1] =	ssyncadd.s32 @p1 $0xFFFFC000  }
0x2b: {  	[tilespmem:s10], [sflag:$0x1] =	stream.indirect.gather @!p1 [spmem:s2], $0x80, s29, s13, $0xb8;
	[tilespmem:$0x11C80] =	vst v63  }
0x2c: {  	s1 =	sshll.u32 s12, $0xE;
	s13 =	sadd.s32 $0xC80, s7  }
0x2d: {  	[tilespmem:s16], [sflag:$0x2] =	stream.indirect.gather [spmem:s2], $0x80, s13, s15, $0xb8;
	[tilespmem:$0x11C80] =	vst v63  }
0x2e: {  	s1 =	sadd.s32 $0xFFFFC000, s1;
	p1 =	por $0x1, $0x1;
	_ =	swait.ge [sflag:s17], $0x4000  }
0x2f: {  	s1 =	sshrl.u32 s1, $0x3;
	s7 =	simm.s32 @!p1 $0x7;
	[sflag:s17] =	ssyncset.done $0x0  }
0x30: {  	s1 =	sadd.s32 s0, s1;
	s14 =	rddreg [dreg:$0x4];
	[sflag:s17] =	ssyncadd.s32 $0xFFFFC000  }
0x31: {  	[hbm4b:s1+s3] =	stream.linear.scatter [tilespmem:s14], [sflag:$0x5], $0x4000, $0x38;
	[tilespmem:$0x11C80] =	vst v63  }
0x32: {  	_ =	swait.ge @!p1 [sflag:s7], $0x4000  }
0x33: {  	[sflag:s7] =	ssyncset.done @!p1 $0x0  }
0x34: {  	s22 =	simm.s32 $0xD80;
	[sflag:s7] =	ssyncadd.s32 @!p1 $0xFFFFC000  }
0x35: {  	[tilespmem:s18], [sflag:$0x3] =	stream.indirect.gather [spmem:s2], $0x80, s22, s15, $0xb8;
	[tilespmem:$0x11C80] =	vst v63  }
0x36: {  	_ =	swait.ge [sflag:s19], $0x4000  }
0x37: {  	[sflag:s19] =	ssyncset.done $0x0  }
0x38: {  	s31 =	simm.s32 $0x800;
	s1 =	simm.s32 @!p1 $0x8;
	[sflag:s19] =	ssyncadd.s32 $0xFFFFC000  }
0x39: {  	[hbm4b:s11+s3] =	stream.linear.scatter [tilespmem:s16], [sflag:$0x6], $0x4000, $0x38;
	[tilespmem:$0x11C80] =	vst v63  }
0x3a: {  	s23 =	simm.s32 $0xE00;
	s30 =	sadd.s32 $0x2000, s11;
	_ =	swait.ge @!p1 [sflag:s1], $0x4000  }
0x3b: {  	s5 =	simm.s32 $0x1000;
	s12 =	simm.s32 $0x5;
	[sflag:s1] =	ssyncset.done @!p1 $0x0  }
0x3c: {  	s29 =	sadd.s32 $0x2000, s6;
	s10 =	smov.u32 s6;
	[sflag:s1] =	ssyncadd.s32 @!p1 $0xFFFFC000  }
0x3d: {  	[tilespmem:s20], [sflag:$0x4] =	stream.indirect.gather [spmem:s2], $0x80, s23, s15, $0xb8;
	[tilespmem:$0x11C80] =	vst v63  }
0x3e: {  	s13 =	sadd.s32 $0x10000, s9;
	p1 =	por $0x1, $0x1;
	_ =	swait.ge [sflag:s21], $0x4000  }
.LBB2_2:
0x3f: {  	[sflag:s21] =	ssyncset.done $0x0  }
0x40: {  	s8 =	simm.s32 @p1 $0x5;
	s1 =	smov.u32 s12;
	[sflag:s21] =	ssyncadd.s32 $0xFFFFC000  }
0x41: {  	[hbm4b:s10+s3] =	stream.linear.scatter [tilespmem:s18], [sflag:$0x7], $0x4000, $0x38;
	[tilespmem:$0x11C80] =	vst v63  }
0x42: {  	s22 =	simm.s32 @p1 $0x1C80;
	s23 =	simm.s32 @p1 $0x80;
	_ =	swait.ge @p1 [sflag:s8], $0x4000  }
0x43: {  	s1 =	simm.s32 @!p1 $0x1;
	s10 =	sshra.s32 @p1 s31, $0x2;
	[sflag:s8] =	ssyncset.done @p1 $0x0  }
0x44: {  	s10 =	sadd.s32 @p1 $0xC80, s10;
	[sflag:s8] =	ssyncadd.s32 @p1 $0xFFFFC000;
	s8 =	simm.s32 @p1 $0x4  }
0x45: {  	[tilespmem:s22], [sflag:$0x1] =	stream.indirect.gather @p1 [spmem:s2], $0x80, s10, s23, $0xb8;
	[tilespmem:$0x11C80] =	vst v63  }
0x46: {  	s14 =	sshll.u32 s1, $0x7;
	s10 =	sshrl.u32 @p1 s13, $0x3;
	_ =	swait.ge @p1 [sflag:s8], $0x4000  }
0x47: {  	s22 =	simm.s32 @p1 $0xDC80;
	s23 =	simm.s32 @p1 $0x0;
	[sflag:s8] =	ssyncset.done @p1 $0x0  }
0x48: {  	s10 =	sadd.s32 @p1 s0, s10;
	[sflag:s8] =	ssyncadd.s32 @p1 $0xFFFFC000;
	s8 =	simm.s32 @p1 $0x6  }
0x49: {  	[hbm4b:s10+s23] =	stream.linear.scatter @p1 [tilespmem:s22], [sflag:$0x8], $0x4000, $0x38;
	[tilespmem:$0x11C80] =	vst v63  }
0x4a: {  	s1 =	sadd.s32 s4, s1;
	s14 =	sand.u32 $0x3FFFFF80, s14;
	_ =	swait.ge @p1 [sflag:s8], $0x4000  }
0x4b: {  	s1 =	sshll.u32 s1, $0xE;
	s10 =	simm.s32 @!p1 $0x1C80;
	[sflag:s8] =	ssyncset.done @p1 $0x0  }
0x4c: {  	s22 =	simm.s32 @!p1 $0x80;
	s23 =	simm.s32 @!p1 $0xC80;
	[sflag:s8] =	ssyncadd.s32 @p1 $0xFFFFC000  }
0x4d: {  	[tilespmem:s10], [sflag:$0x1] =	stream.indirect.gather @!p1 [spmem:s2], $0x80, s23, s22, $0xb8;
	[tilespmem:$0x11C80] =	vst v63  }
0x4e: {  	s1 =	sadd.s32 $0xFFFFC000, s1;
	s22 =	sadd.s32 $0xC80, s14  }
0x4f: {  	[tilespmem:s16], [sflag:$0x2] =	stream.indirect.gather [spmem:s2], $0x80, s22, s15, $0xb8;
	[tilespmem:$0x11C80] =	vst v63  }
0x50: {  	s1 =	sshrl.u32 s1, $0x3;
	_ =	swait.ge [sflag:s17], $0x4000  }
0x51: {  	s1 =	sadd.s32 s0, s1;
	p1 =	seq.s32 s31, $0x0;
	[sflag:s17] =	ssyncset.done $0x0  }
0x52: {  	s14 =	simm.s32 @!p1 $0x7;
	s23 =	rddreg [dreg:$0x4];
	[sflag:s17] =	ssyncadd.s32 $0xFFFFC000  }
0x53: {  	[hbm4b:s1+s3] =	stream.linear.scatter [tilespmem:s23], [sflag:$0x5], $0x4000, $0x38;
	[tilespmem:$0x11C80] =	vst v63  }
0x54: {  	_ =	swait.ge @!p1 [sflag:s14], $0x4000  }
0x55: {  	s22 =	sshra.s32 s31, $0x2;
	[sflag:s14] =	ssyncset.done @!p1 $0x0  }
0x56: {  	s23 =	sadd.s32 $0xD80, s22;
	[sflag:s14] =	ssyncadd.s32 @!p1 $0xFFFFC000  }
0x57: {  	[tilespmem:s18], [sflag:$0x3] =	stream.indirect.gather [spmem:s2], $0x80, s23, s15, $0xb8;
	[tilespmem:$0x11C80] =	vst v63  }
0x58: {  	s7 =	smov.u32 s5;
	s5 =	sadd.s32 $0x800, s5;
	_ =	swait.ge [sflag:s19], $0x4000  }
0x59: {  	p2 =	sne.s32 s5, $0x4000;
	[sflag:s19] =	ssyncset.done $0x0  }
0x5a: {  	s31 =	smov.u32 s7;
	s7 =	simm.s32 @!p1 $0x8;
	[sflag:s19] =	ssyncadd.s32 $0xFFFFC000  }
0x5b: {  	[hbm4b:s30+s3] =	stream.linear.scatter [tilespmem:s16], [sflag:$0x6], $0x4000, $0x38;
	[tilespmem:$0x11C80] =	vst v63  }
.Ltmp0:
0x5c: {  	s12 =	sadd.s32 $0x4, s12;
	_ =	swait.ge @!p1 [sflag:s7], $0x4000;
	(pc) =	sbr.rel @p2 .LBB2_2-.Ltmp0, $4  }
0x5d: {  	s13 =	sadd.s32 $0x10000, s13;
	s10 =	smov.u32 s29;
	[sflag:s7] =	ssyncset.done @!p1 $0x0  }
0x5e: {  	s29 =	sadd.s32 $0x2000, s29;
	s1 =	sadd.s32 $0xE00, s22;
	[sflag:s7] =	ssyncadd.s32 @!p1 $0xFFFFC000  }
0x5f: {  	[tilespmem:s20], [sflag:$0x4] =	stream.indirect.gather [spmem:s2], $0x80, s1, s15, $0xb8;
	[tilespmem:$0x11C80] =	vst v63  }
0x60: {  	s30 =	sadd.s32 $0x2000, s30;
	p1 =	sne.s32 s31, $0x0;
	_ =	swait.ge [sflag:s21], $0x4000  }
0x61: {  	[sflag:s21] =	ssyncset.done $0x0  }
0x62: {  	s1 =	simm.s32 @p1 $0x5;
	[sflag:s21] =	ssyncadd.s32 $0xFFFFC000  }
0x63: {  	[hbm4b:s10+s3] =	stream.linear.scatter [tilespmem:s18], [sflag:$0x7], $0x4000, $0x38;
	[tilespmem:$0x11C80] =	vst v63  }
0x64: {  	_ =	swait.ge @p1 [sflag:s1], $0x4000  }
0x65: {  	s5 =	sshra.s32 @p1 s31, $0x2;
	s7 =	simm.s32 @p1 $0x1C80;
	[sflag:s1] =	ssyncset.done @p1 $0x0  }
0x66: {  	s5 =	sadd.s32 @p1 $0xC80, s5;
	[sflag:s1] =	ssyncadd.s32 @p1 $0xFFFFC000;
	s1 =	simm.s32 @p1 $0x80  }
0x67: {  	[tilespmem:s7], [sflag:$0x1] =	stream.indirect.gather @p1 [spmem:s2], $0x80, s5, s1, $0xb8;
	[tilespmem:$0x11C80] =	vst v63  }
0x68: {  	s1 =	simm.s32 @p1 $0x4  }
0x69: {  	_ =	swait.ge @p1 [sflag:s1], $0x4000  }
0x6a: {  	s5 =	sshrl.u32 @p1 s13, $0x3;
	s7 =	simm.s32 @p1 $0xDC80;
	[sflag:s1] =	ssyncset.done @p1 $0x0  }
0x6b: {  	s5 =	sadd.s32 @p1 s0, s5;
	[sflag:s1] =	ssyncadd.s32 @p1 $0xFFFFC000;
	s1 =	simm.s32 @p1 $0x0  }
0x6c: {  	[hbm4b:s5+s1] =	stream.linear.scatter @p1 [tilespmem:s7], [sflag:$0x8], $0x4000, $0x38;
	[tilespmem:$0x11C80] =	vst v63  }
0x6d: {  	s1 =	simm.s32 @p1 $0x6  }
0x6e: {  	_ =	swait.ge @p1 [sflag:s1], $0x4000  }
0x6f: {  	s12 =	simm.s32 @!p1 $0x1;
	s5 =	simm.s32 @!p1 $0x1C80;
	[sflag:s1] =	ssyncset.done @p1 $0x0  }
0x70: {  	s7 =	simm.s32 @!p1 $0x80;
	[sflag:s1] =	ssyncadd.s32 @p1 $0xFFFFC000;
	s1 =	simm.s32 @!p1 $0xC80  }
0x71: {  	[tilespmem:s5], [sflag:$0x1] =	stream.indirect.gather @!p1 [spmem:s2], $0x80, s1, s7, $0xb8;
	[tilespmem:$0x11C80] =	vst v63  }
0x72: {  	s7 =	sshll.u32 s12, $0x7  }
0x73: {  	s8 =	sadd.s32 s4, s12;
	s1 =	sand.u32 $0x3FFFFF80, s7  }
0x74: {  	s10 =	sshll.u32 s8, $0xE;
	s1 =	sadd.s32 $0xC80, s1  }
0x75: {  	[tilespmem:s16], [sflag:$0x2] =	stream.indirect.gather [spmem:s2], $0x80, s1, s15, $0xb8;
	[tilespmem:$0x11C80] =	vst v63  }
0x76: {  	s1 =	sadd.s32 $0xFFFFC000, s10;
	_ =	swait.ge [sflag:s17], $0x4000  }
0x77: {  	p1 =	seq.s32 s31, $0x0;
	s1 =	sshrl.u32 s1, $0x3;
	[sflag:s17] =	ssyncset.done $0x0  }
0x78: {  	s12 =	rddreg [dreg:$0x4];
	s1 =	sadd.s32 s0, s1;
	[sflag:s17] =	ssyncadd.s32 $0xFFFFC000  }
0x79: {  	[hbm4b:s1+s3] =	stream.linear.scatter [tilespmem:s12], [sflag:$0x5], $0x4000, $0x38;
	[tilespmem:$0x11C80] =	vst v63  }
0x7a: {  	s1 =	simm.s32 @!p1 $0x7  }
0x7b: {  	_ =	swait.ge @!p1 [sflag:s1], $0x4000  }
0x7c: {  	s13 =	sshra.s32 s31, $0x2;
	[sflag:s1] =	ssyncset.done @!p1 $0x0  }
0x7d: {  	s14 =	sadd.s32 $0xD80, s13;
	[sflag:s1] =	ssyncadd.s32 @!p1 $0xFFFFC000  }
0x7e: {  	[tilespmem:s18], [sflag:$0x3] =	stream.indirect.gather [spmem:s2], $0x80, s14, s15, $0xb8;
	[tilespmem:$0x11C80] =	vst v63  }
0x7f: {  	_ =	swait.ge [sflag:s19], $0x4000  }
0x80: {  	[sflag:s19] =	ssyncset.done $0x0  }
0x81: {  	s1 =	simm.s32 @!p1 $0x8;
	[sflag:s19] =	ssyncadd.s32 $0xFFFFC000  }
0x82: {  	[hbm4b:s30+s3] =	stream.linear.scatter [tilespmem:s16], [sflag:$0x6], $0x4000, $0x38;
	[tilespmem:$0x11C80] =	vst v63  }
0x83: {  	_ =	swait.ge @!p1 [sflag:s1], $0x4000  }
0x84: {  	[sflag:s1] =	ssyncset.done @!p1 $0x0  }
0x85: {  	s22 =	sadd.s32 $0xE00, s13;
	[sflag:s1] =	ssyncadd.s32 @!p1 $0xFFFFC000  }
0x86: {  	[tilespmem:s20], [sflag:$0x4] =	stream.indirect.gather [spmem:s2], $0x80, s22, s15, $0xb8;
	[tilespmem:$0x11C80] =	vst v63  }
0x87: {  	_ =	swait.ge [sflag:s21], $0x4000  }
0x88: {  	[sflag:s21] =	ssyncset.done $0x0  }
0x89: {  	s23 =	simm.s32 $0x4;
	[sflag:s21] =	ssyncadd.s32 $0xFFFFC000  }
0x8a: {  	[hbm4b:s29+s3] =	stream.linear.scatter [tilespmem:s18], [sflag:$0x7], $0x4000, $0x38;
	[tilespmem:$0x11C80] =	vst v63  }
0x8b: {  	_ =	swait.ge [sflag:s23], $0x4000  }
0x8c: {  	[sflag:s23] =	ssyncset.done $0x0  }
0x8d: {  	s30 =	simm.s32 $0x5;
	s29 =	rddreg [dreg:$0x7];
	[sflag:s23] =	ssyncadd.s32 $0xFFFFC000  }
0x8e: {  	[hbm4b:s29+s3] =	stream.linear.scatter [tilespmem:s20], [sflag:$0x8], $0x4000, $0x38;
	[tilespmem:$0x11C80] =	vst v63  }
0x8f: {  	_ =	swait.ge [sflag:s30], $0x4000  }
0x90: {  	[sflag:s30] =	ssyncset.done $0x0  }
0x91: {  	[sflag:s30] =	ssyncadd.s32 $0xFFFFC000  }
0x92: {  	_ =	swait.ge [sflag:s24], $0x4000  }
0x93: {  	[sflag:s24] =	ssyncset.done $0x0  }
0x94: {  	[sflag:s24] =	ssyncadd.s32 $0xFFFFC000  }
0x95: {  	_ =	swait.ge [sflag:s25], $0x4000  }
0x96: {  	[sflag:s25] =	ssyncset.done $0x0  }
0x97: {  	[sflag:s25] =	ssyncadd.s32 $0xFFFFC000  }
0x98: {  	_ =	swait.ge [sflag:s26], $0x4000  }
0x99: {  	s28 =	sadd.s32 $0x1, s28;
	s31 =	rddreg [dreg:$0x8]  }
0x9a: {  	p1 =	sne.s32 s28, s31  }
.Ltmp1:
0x9b: {  	_ = 	snop;
	(pc) =	sbr.rel @p1 .LBB2_1-.Ltmp1, $3  }
0x9c: {  	_ =	sdelay $0x1  }
0x9d: {  	[sflag:s26] =	ssyncset.done $0x0  }
0x9e: {  	[sflag:s26] =	ssyncadd.s32 $0xFFFFC000  }
0x9f: {  	_ =	sfence.sel $0x180000  }
0xa0: {  	[bflag:$0x0] =	sbarrier.arrive $0xFFFF  }
0xa1: {  	_ =	strace $0x90000047  }
0xa2: {  	[bflag:$0x2] =	sbarrier.arrive $0xFFFF  }
0xa3: {  	s0 =	rddreg [dreg:$0x3]  }
0xa4: {  	s0 =	sadd.s32 @!p0 $0x100000, s0  }
0xa5: {  	[sflag:s0] =	ssyncadd.tile.s32 @!p0 $0x1;
	_ =	shalt  }
.Lfunc_end2:
_tile_overlayer_lowered:
.L_overlay_start_2:
0xa6: {  	(tag) =	ssettag $0x2  }
0xa7: {  	s0 =	rddreg [dreg:$0x0];
	s2 =	stileid.u32  }
0xa8: {  	s1 =	rddreg [dreg:$0x1];
	p0 =	sne.s32 s2, $0x0  }
0xa9: {  	s3 =	rddreg [dreg:$0x2];
	[bflag:$0x3] =	sbarrier.arrive $0xFFFF;
	s2 =	simm.s32 @!p0 $0x1C09  }
0xaa: {  	[timem:s3], [sflag:s2] =	dma.local @!p0 [hbm:s0], s1  }
0xab: {  	s0 =	simm.s32 @!p0 $0x9  }
0xac: {  	_ =	swait.ge @!p0 [sflag:s0], s1  }
0xad: {  	s1 =	ssub.s32 @!p0 $0x0, s1;
	[sflag:s0] =	ssyncset.done @!p0 $0x0  }
0xae: {  	[sflag:s0] =	ssyncadd.s32 @!p0 s1  }
0xaf: {  	[bflag:$0x3] =	sbarrier.arrive $0xFFFF  }
0xb0: {  	_ =	shalt  }

// kernel: sparse-core-data-format-call.cloned.1.call-start
scs
called_computation_lowered:
.L_overlay_start_0:
0x0: {  	s2 =	sld [smem:$0x3FD9]  }
0x1: {  	s3 =	sld [smem:$0x3FFE];
	_ =	sdelay $0x1  }
0x2: {  	s1 =	srdreg.scid  }
0x3: {  	s0 =	sand.u32 $0x1, s1  }
0x4: {  	s18 =	sshll.u32 s0, $0xA;
	s2 =	sadd.s32 s3, s2  }
0x5: {  	s2 =	sadd.s32 s2, s18  }
0x6: {  	[smem:$0x3FC5] =	sst s2  }
0x7: {  	_ = 	snop  }
0x8: {  	s2 =	sld [smem:$0x3FD0];
	(tm) =	ssettm $0x1  }
0x9: {  	s19 =	sld [smem:$0x3FFB];
	_ =	sdelay $0x3  }
0xa: {  	_ =	strace s19  }
0xb: {  	s3 =	sld [smem:$0x3FFC];
	_ =	sdelay $0x3  }
0xc: {  	_ =	strace s3  }
0xd: {  	s3 =	sld [smem:$0x3FFD];
	_ =	sdelay $0x3  }
0xe: {  	_ =	strace s3  }
0xf: {  	_ =	strace $0x8FFFFFFF  }
0x10: {  	s20 =	sld [smem:$0x3FDB];
	_ =	sdelay $0x1  }
0x11: {  	s4 =	simm.s32 $_scs_section_size  }
0x12: {  	s5 =	simm.s32 $_size__tile_overlayer_lowered;
	s6 =	simm.s32 $_tile_overlayer_lowered  }
0x13: {  	s23 =	simm.s32 $0x1BFF;
	s22 =	sshll.u32 s6, $0x1;
	s3 =	sadd.s32 s4, s20  }
0x14: {  	s7 =	simm.s32 $0x0;
	s21 =	sshll.u32 s5, $0x1;
	s5 =	sadd.s32 s22, s3  }
0x15: {  	[timem:s7], [sflag:s23] =	dma.local [hbm:s5], s21  }
0x16: {  	_ =	swait.ge [sflag:s23], s21  }
0x17: {  	s4 =	ssub.s32 $0x0, s21;
	[sflag:s23] =	ssyncset.done $0x0  }
0x18: {  	[sflag:s23] =	ssyncadd.s32 s4;
	_ =	sdelay $0x1  }
0x19: {  	s24 =	simm.s32 $0x1B8B  }
0x1a: {  	_ =	swait.ge [sflag:s24], $0x1  }
0x1b: {  	[sflag:s24] =	ssyncset.done $0x0  }
0x1c: {  	s26 =	simm.s32 $0x1B8E;
	s25 =	sld [smem:$0x3FFE];
	[sflag:s24] =	ssyncadd.s32 $0xFFFFFFFF  }
0x1d: {  	s27 =	simm.s32 $execute0_lowered;
	[smem:$0x3FD2] =	sst s26  }
0x1e: {  	s5 =	sshll.u32 s27, $0x1;
	_ =	strace $0x80000049;
	[dreg:$0x1] =	wrdreg $0xFFFFFFFF  }
0x1f: {  	s28 =	simm.s32 $_size_execute0_lowered;
	s3 =	sadd.s32 s3, s5;
	[dreg:$0x0] =	wrdreg $0x0  }
0x20: {  	s5 =	sshll.u32 s28, $0x1;
	[dreg:$0x2] =	wrdreg s3  }
0x21: {  	[dreg:$0x3] =	wrdreg s5  }
0x22: {  	[dreg:$0x4] =	wrdreg $0xC0  }
0x23: {  	_ =	task [dreg:s7], $0x5FFFF  }
0x24: {  	[dreg:$0x1] =	wrdreg $0xFFFFFFFF  }
0x25: {  	[dreg:$0x0] =	wrdreg $0x60  }
0x26: {  	[dreg:$0x2] =	wrdreg s25  }
0x27: {  	[dreg:$0x3] =	wrdreg s2  }
0x28: {  	[dreg:$0x4] =	wrdreg $0x9  }
0x29: {  	_ =	task.clear_ibuf [dreg:s7], $0x5FFFF;
	_ =	strace $0x90000049  }
0x2a: {  	s29 =	simm.s32 $0x9;
	_ =	strace $0x8000004B  }
0x2b: {  	_ =	swait.ge [sflag:s29], $0x1  }
0x2c: {  	[sflag:s29] =	ssyncadd.s32 $0xFFFFFFFF  }
0x2d: {  	_ =	strace $0x9000004B  }
0x2e: {  	_ =	sfence  }
0x2f: {  	s30 =	sld [smem:$0x0];
	_ =	sdelay $0x2  }
0x30: {  	s31 =	sshll.u32 s1, $0xD;
	s1 =	sshrl.u32 s1, $0x2  }
0x31: {  	s3 =	sand.u32 $0x4000, s31;
	s1 =	sadd.s32 s1, s30  }
0x32: {  	s0 =	sor.u32 s3, s0;
	s1 =	sshll.u32 s1, $0x11  }
0x33: {  	s0 =	sor.u32 s1, s0  }
0x34: {  	s0 =	sadd.s32 $0x8F2B, s0  }
0x35: {  	[sflag:s0] =	ssyncadd.remote.s32 $0x1  }
0x36: {  	_ =	sfence.sel $0xFFFF  }
0x37: {  	[dreg:$0x0] =	wrdreg $0xFFFFFFFF;
	(pc) =	sbr.abs _section_cstart, $3  }
0x38: {  	[dreg:$0x1] =	wrdreg $0xFFFFFFFF  }
0x39: {  	_ =	task.clear_ibuf [dreg:s7], $0x2FFFF;
	_ =	strace $0x9FFFFFFF  }
0x3a: {  	(tm) =	ssettm $0x7FFFFFFF  }
0x3b: {  	_ =	shalt  }
tec
execute0_lowered:
.L_overlay_start_1:
0x0: {  	(tag) =	ssettag $0x1  }
0x1: {  	s0 =	srdreg.scid  }
0x2: {  	s7 =	rddreg [dreg:$0x0];
	s1 =	sshll.u32 s0, $0x4  }
0x3: {  	s3 =	rddreg [dreg:$0x1];
	s0 =	stileid.u32;
	s1 =	sand.u32 $0x10, s1  }
0x4: {  	s6 =	simm.s32 $0x1;
	s31 =	simm.s32 $0x2;
	s1 =	sor.u32 s0, s1  }
0x5: {  	s13 =	simm.s32 $0x0;
	s9 =	simm.s32 $0x2000;
	s2 =	sshll.u32 s1, $0x1  }
0x6: {  	s14 =	simm.s32 $0x0;
	s10 =	simm.s32 $0x0;
	s4 =	ssub.s32 $0x100, s2  }
0x7: {  	s12 =	simm.s32 $0x0;
	s1 =	rddreg [dreg:$0x2];
	s5 =	sand.u32 $0x3E, s4  }
.Ltmp0:
0x8: {  	_ =	strace $0x8000004A;
	p0 =	sne.s32 s5, $0x0;
	(pc) =	sbr.rel .LBB1_1-.Ltmp0, $4  }
0x9: {  	s11 =	smov.u32 s2;
	s8 =	sshrl.u32 s4, $0x6;
	s6 =	simm.s32 @!p0 $0x0  }
0xa: {  	s4 =	sadd.s32 $0xC00, s7;
	s5 =	simm.s32 $0x1;
	s6 =	sadd.s32 s6, s8  }
0xb: {  	s7 =	sadd.s32 $0x4C00, s7;
	[sflag:s5] =	ssyncpa.u1 $0x0;
	s6 =	sshll.u32 s6, $0x3  }
0xc: {  	p0 =	por $0x0, $0x0;
	[sflag:s31] =	ssyncpa.u1 $0x0;
	s8 =	sor.u32 $0x1, s6  }
.LBB1_7:
0xd: {  	s15 =	sadd.s32 $0x80, s10  }
0xe: {  	s13 =	sadd.s32 $0x40, s11;
	s17 =	smov.u32 s11;
	p2 =	sgt.s32 s15, $0x3FF  }
0xf: {  	s17 =	smov.u32 @p2 s13  }
0x10: {  	s15 =	simm.s32 @p2 $0x0;
	p2 =	sgt.s32 s17, $0xFF  }
0x11: {  	s17 =	smov.u32 @p2 s2;
	p2 =	sne.s32 s12, s8  }
.Ltmp1:
0x12: {  	p1 =	slt.u32 s12, $0x2;
	(pc) =	sbr.rel @!p2 .LBB1_8-.Ltmp1, $4  }
0x13: {  	s16 =	simm.s32 @!p1 $0x2  }
0x14: {  	s14 =	smov.u32 s11;
	p0 =	por !p0, !p0;
	_ =	swait.ge @!p1 [sflag:s16], $0x4000  }
0x15: {  	s13 =	smov.u32 s10;
	[sflag:s16] =	ssyncset.done @!p1 $0x0;
	s10 =	smov.u32 s15  }
0x16: {  	s12 =	sadd.s32 $0x1, s12;
	[sflag:s16] =	ssyncadd.s32 @!p1 $0xFFFFC000;
	s11 =	smov.u32 s17  }
.LBB1_1:
0x17: {  	p1 =	sge.u32 s12, s6  }
0x18: {  	s15 =	sxor.u32 @!p1 $0xFFFFFFFF, s12;
	s16 =	sshll.u32 @!p1 s11, $0xE  }
0x19: {  	s17 =	sshll.u32 @!p1 s10, $0x4;
	s19 =	simm.s32 @!p1 $0x40;
	s20 =	simm.s32 @!p1 $0x80  }
0x1a: {  	s15 =	sshll.u32 @!p1 s15, $0xE;
	s17 =	sand.u32 @!p1 $0x3FF0, s17;
	s18 =	sadd.s32 @!p1 s4, s16  }
0x1b: {  	s16 =	sadd.s32 @!p1 s16, s7;
	s15 =	sand.u32 @!p1 $0x4000, s15;
	s18 =	sadd.s32 @!p1 s17, s18  }
0x1c: {  	[tilespmem:s15], [sflag:$0x1] =	stream.strided.gather @!p1 [hbm4b:s18+s19], $0x2000, s20, s19, $0x38;
	[tilespmem:$0x10100] =	vst v63  }
0x1d: {  	s31 =	sadd.s32 $0xFFFFFFFF, s12;
	s16 =	sadd.s32 @!p1 s17, s16;
	s15 =	sor.u32 @!p1 $0x2000, s15  }
0x1e: {  	[tilespmem:s15], [sflag:$0x1] =	stream.strided.gather @!p1 [hbm4b:s16+s19], $0x2000, s20, s19, $0x38;
	[tilespmem:$0x10100] =	vst v63  }
0x1f: {  	p1 =	sge.u32 s31, s6  }
.Ltmp2:
0x20: {  	_ = 	snop;
	(pc) =	sbr.rel @p1 .LBB1_7-.Ltmp2, $1  }
0x21: {  	_ =	sdelay $0x3  }
0x22: {  	s15 =	simm.s32 $0x1;
	s17 =	sand.u32 $0x1, s12  }
0x23: {  	_ =	swait.ge [sflag:s5], $0x4000;
	s15 =	simm.s32 @!p0 $0x0;
	s17 =	smul.u32 $0x10200, s17  }
0x24: {  	p2 =	por $0x1, $0x1;
	[sflag:s5] =	ssyncset.done $0x0;
	s16 =	smul.u32 $0x10200, s15  }
0x25: {  	s18 =	sshll.u32 s15, $0x10;
	[sflag:s5] =	ssyncadd.s32 $0xFFFFC000;
	s30 =	sshrl.u32 s17, $0x2  }
0x26: {  	s31 =	sshrl.u32 s18, $0x2;
	s18 =	simm.s32 $0x0;
	s16 =	sshrl.u32 s16, $0x2  }
0x27: {  	s15 =	sor.u32 $0x8000, s30;
	s17 =	sadd.s32 $0x20, s31;
	s16 =	sor.u32 $0x8000, s16  }
.LBB1_3:
0x28: {  	s19 =	sshll.u32 s18, $0xD  }
0x29: {  	s19 =	sand.u32 $0x3FFFE000, s19  }
0x2a: {  	s21 =	sadd.s32 s19, s17  }
0x2b: {  	s31 =	smul.u32 $0x8100, s18;
	v3 =	vld [tilespmem:s21+$0x10]  }
0x2c: {  	v1 =	vld [tilespmem:s21+$0xFFFFFFF0]  }
0x2d: {  	s18 =	sshra.s32 s31, $0x2;
	v0 =	vld [tilespmem:s21+$0x0]  }
0x2e: {  	s18 =	sadd.s32 s18, s16;
	v2 =	vld [tilespmem:s21+$0xFFFFFFE0]  }
0x2f: {  	s19 =	sadd.s32 $0x0, s18  }
0x30: {  	p1 =	por p2, p2;
	s20 =	simm.s32 $0x4;
	s21 =	sadd.s32 $0x40, s21;
	[tilespmem:s19+$0x1830 ss:$0x81] =	vst.msk $0xffff, v3  }
.LBB1_4:
0x31: {  	v3 =	vld [tilespmem:s21+$0x10];
	p2 =	sne.s32 s20, $0x1FC;
	[tilespmem:s19+$0x810 ss:$0x81] =	vst.msk $0xffff, v1;
	s22 =	smov.u32 s20;
	s20 =	sadd.s32 $0x4, s20  }
.Ltmp3:
0x32: {  	v1 =	vld [tilespmem:s21+$0xFFFFFFF0];
	[tilespmem:s19+$0x1020 ss:$0x81] =	vst.msk $0xffff, v0;
	(pc) =	sbr.rel @p2 .LBB1_4-.Ltmp3, $4  }
0x33: {  	v0 =	vld [tilespmem:s21+$0x0];
	[tilespmem:s19+$0x0 ss:$0x81] =	vst.msk $0xffff, v2  }
0x34: {  	s19 =	sshra.s32 s22, $0x2;
	v2 =	vld [tilespmem:s21+$0xFFFFFFE0]  }
0x35: {  	s19 =	sadd.s32 s19, s18  }
0x36: {  	s21 =	sadd.s32 $0x40, s21;
	[tilespmem:s19+$0x1830 ss:$0x81] =	vst.msk $0xffff, v3  }
.Ltmp4:
0x37: {  	(pc) =	sbr.rel @p1 .LBB1_3-.Ltmp4, $4  }
0x38: {  	_ = 	snop  }
0x39: {  	[tilespmem:s19+$0x810 ss:$0x81] =	vst.msk $0xffff, v1  }
0x3a: {  	[tilespmem:s19+$0x1020 ss:$0x81] =	vst.msk $0xffff, v0  }
0x3b: {  	s18 =	simm.s32 $0x1;
	p2 =	por $0x0, $0x0;
	[tilespmem:s19+$0x0 ss:$0x81] =	vst.msk $0xffff, v2  }
.Ltmp5:
0x3c: {  	s16 =	sand.u32 $0x1F80, s13;
	s14 =	sshll.u32 s14, $0xD;
	(pc) =	sbr.rel .LBB1_7-.Ltmp5, $4  }
0x3d: {  	s17 =	sshrl.u32 s13, $0x3;
	s31 =	sand.u32 $0x7, s13;
	s14 =	sadd.s32 s3, s14  }
0x3e: {  	s17 =	sand.u32 $0xF, s17;
	s13 =	sshll.u32 s31, $0x12;
	s14 =	sadd.s32 s16, s14  }
0x3f: {  	s13 =	sor.u32 $0x400, s13;
	s14 =	sadd.s32 s17, s14  }
0x40: {  	[hbm4b:s14+s13] =	stream.strided.scatter [tilespmem:s15], [sflag:$0x2], $0x4000, s9, s13, $0x20;
	[tilespmem:$0x10100] =	vst v63  }
.LBB1_8:
0x41: {  	_ =	sfence.sel $0x180000  }
0x42: {  	s2 =	simm.s32 $0x1;
	[bflag:$0x0] =	sbarrier.arrive $0xFFFF  }
0x43: {  	s31 =	simm.s32 $0x2;
	[sflag:s2] =	ssyncpa.u1 $0x1  }
0x44: {  	[sflag:s31] =	ssyncpa.u1 $0x1  }
0x45: {  	p0 =	sne.s32 s0, $0x0;
	_ =	strace $0x9000004A  }
0x46: {  	s0 =	sadd.s32 @!p0 $0x100000, s1;
	[bflag:$0x2] =	sbarrier.arrive $0xFFFF  }
0x47: {  	[sflag:s0] =	ssyncadd.tile.s32 @!p0 $0x1;
	_ =	shalt  }
.Lfunc_end1:
_tile_overlayer_lowered:
.L_overlay_start_2:
0x48: {  	(tag) =	ssettag $0x2  }
0x49: {  	s0 =	rddreg [dreg:$0x0];
	s2 =	stileid.u32  }
0x4a: {  	s1 =	rddreg [dreg:$0x1];
	p0 =	sne.s32 s2, $0x0  }
0x4b: {  	s3 =	rddreg [dreg:$0x2];
	[bflag:$0x3] =	sbarrier.arrive $0xFFFF;
	s2 =	simm.s32 @!p0 $0x1C01  }
0x4c: {  	[timem:s3], [sflag:s2] =	dma.local @!p0 [hbm:s0], s1  }
0x4d: {  	s0 =	simm.s32 @!p0 $0x1  }
0x4e: {  	_ =	swait.ge @!p0 [sflag:s0], s1  }
0x4f: {  	s1 =	ssub.s32 @!p0 $0x0, s1;
	[sflag:s0] =	ssyncset.done @!p0 $0x0  }
0x50: {  	[sflag:s0] =	ssyncadd.s32 @!p0 s1  }
0x51: {  	[bflag:$0x3] =	sbarrier.arrive $0xFFFF  }
0x52: {  	_ =	shalt  }

</sc_bundles>
